<compile_context>
chip_gen: v7x
topology: tpu7x:2x2x1
jax: 0.10.2.dev20260603
libtpu: 0.0.44.dev20260713+nightly
codegen_flags: <defaults>
</compile_context>

<pallas_src>
import functools

import jax
import jax.numpy as jnp
import numpy as np
from jax import lax
from jax.experimental import pallas as pl
from jax.experimental.pallas import tpu as pltpu
from jax.experimental.pallas import tpu_sc as plsc

VOCAB = 1000000
EMBED = 32
N_FEATURES = 36
HIDDEN = 200
N_CLASSES = 3
BATCH = 16384

ROWS = BATCH * N_FEATURES
NC, NS = 2, 16
NW = NC * NS
ROWS_PER_W = ROWS // NW
CHUNK = 1024
NCHUNK = ROWS_PER_W // CHUNK
SCAT = CHUNK // 128
PERM_ROWS = ROWS_PER_W // 128
KT = (N_FEATURES * EMBED) // 128


def _perm_table() -> np.ndarray:
    r = np.arange(ROWS, dtype=np.int64)
    b, f = r // N_FEATURES, r % N_FEATURES
    o = ((b // 8) * KT + f // 4) * 32 + (b % 8) * 4 + (f % 4)
    return o.astype(np.int32).reshape(NW, PERM_ROWS, 128)


def _make_sc_gather():
    mesh = plsc.VectorSubcoreMesh(core_axis_name="c", subcore_axis_name="s")

    @functools.partial(
        pl.kernel,
        mesh=mesh,
        out_type=jax.ShapeDtypeStruct((ROWS, EMBED), jnp.float32),
        scratch_types=[
            pltpu.VMEM((ROWS_PER_W,), jnp.int32),
            pltpu.VMEM((PERM_ROWS, 128), jnp.int32),
            pltpu.VMEM((2, CHUNK, EMBED), jnp.float32),
            pltpu.SemaphoreType.DMA,
            pltpu.SemaphoreType.DMA,
        ],
        compiler_params=pltpu.CompilerParams(use_tc_tiling_on_sc=False),
    )
    def gather_k(idx_hbm, table_hbm, perm_hbm, out_hbm,
                 idx_v, perm_v, rows_v, gsem, wsem):
        wid = lax.axis_index("s") * NC + lax.axis_index("c")
        base = wid * ROWS_PER_W
        pltpu.sync_copy(idx_hbm.at[pl.ds(base, ROWS_PER_W)], idx_v)
        pltpu.sync_copy(perm_hbm.at[wid], perm_v)

        def g_start(ci, b):
            pltpu.make_async_copy(
                table_hbm.at[idx_v.at[pl.ds(ci * CHUNK, CHUNK)]],
                rows_v.at[b], gsem,
            ).start()

        def g_wait(b):
            pltpu.make_async_copy(
                table_hbm.at[idx_v.at[pl.ds(0, CHUNK)]], rows_v.at[b], gsem
            ).wait()

        def s_start(ci, b):
            for q in range(SCAT):
                pltpu.make_async_copy(
                    rows_v.at[b].at[pl.ds(q * 128, 128)],
                    out_hbm.at[perm_v.at[ci * SCAT + q]],
                    wsem,
                ).start()

        def s_drain(b):
            for q in range(SCAT):
                pltpu.make_async_copy(
                    rows_v.at[b].at[pl.ds(q * 128, 128)],
                    out_hbm.at[perm_v.at[q]],
                    wsem,
                ).wait()

        g_start(0, 0)
        g_start(1, 1)

        def step(ci, _):
            for b in range(2):
                c = ci + b
                g_wait(b)
                s_start(c, b)
                s_drain(b)
                pl.when(c + 2 < NCHUNK)(lambda: g_start(c + 2, b))
            return 0

        lax.fori_loop(0, NCHUNK // 2, lambda i, c: step(i * 2, c), 0)

    return gather_k


_sc_gather = _make_sc_gather()


TVB = 16384
TG = TVB // 4
NTBLK = -(-VOCAB // TVB)
TROWS = NTBLK * TVB


def _tr_body(et_ref, out_ref):
    t = et_ref[...].T
    out_ref[...] = jnp.concatenate(
        [t[a * TG:(a + 1) * TG, :] for a in range(4)], axis=1)


def _transpose_table(et):
    return pl.pallas_call(
        _tr_body,
        grid=(NTBLK,),
        in_specs=[pl.BlockSpec((EMBED, TVB), lambda i: (0, i))],
        out_specs=pl.BlockSpec((TG, 128), lambda i: (i, 0)),
        out_shape=jax.ShapeDtypeStruct((NTBLK * TG, 128), jnp.float32),
    )(et).reshape(TROWS, EMBED)


def _remap_idx(idx):
    u = idx & (TVB - 1)
    return 4 * ((idx >> (TVB.bit_length() - 1)) * TG + (u & (TG - 1))) + (
        u >> (TG.bit_length() - 1))


def _mlp_body(x_ref, w1_ref, b1_ref, w2_ref, b2_ref, out_ref):
    bb8 = x_ref.shape[0]
    acc = jnp.zeros((bb8 * 8, HIDDEN), dtype=jnp.float32)
    for t in range(KT):
        xt = x_ref[:, t].reshape(bb8 * 8, 128)
        acc = acc + jnp.dot(xt, w1_ref[t], preferred_element_type=jnp.float32)
    h = jnp.maximum(acc + b1_ref[...], 0.0)
    out_ref[...] = (
        jnp.dot(h, w2_ref[...], preferred_element_type=jnp.float32) + b2_ref[...]
    )


def _mlp(x4, W1r, b1, W2, b2):
    BB = 1024
    grid = (BATCH // BB,)
    return pl.pallas_call(
        _mlp_body,
        grid=grid,
        in_specs=[
            pl.BlockSpec((BB // 8, KT, 8, 128), lambda i: (i, 0, 0, 0)),
            pl.BlockSpec((KT, 128, HIDDEN), lambda i: (0, 0, 0)),
            pl.BlockSpec((1, HIDDEN), lambda i: (0, 0)),
            pl.BlockSpec((HIDDEN, N_CLASSES), lambda i: (0, 0)),
            pl.BlockSpec((1, N_CLASSES), lambda i: (0, 0)),
        ],
        out_specs=pl.BlockSpec((BB, N_CLASSES), lambda i: (i, 0)),
        out_shape=jax.ShapeDtypeStruct((BATCH, N_CLASSES), jnp.float32),
    )(x4, W1r, b1, W2, b2)


_PERM = _perm_table()


def kernel(w, embeddings, W1, b1, W2, b2):
    idx = _remap_idx(w.reshape(-1))
    table = _transpose_table(embeddings.T)
    xg = _sc_gather(idx, table, jnp.asarray(_PERM))
    x4 = xg.reshape(BATCH // 8, KT, 8, 4, EMBED).reshape(BATCH // 8, KT, 8, 128)
    return _mlp(
        x4,
        W1.reshape(KT, 128, HIDDEN),
        b1.reshape(1, HIDDEN),
        W2,
        b2.reshape(1, N_CLASSES),
    )

# --- scband reference (transcript-rebuilt; emitter-appended) ---
"""Pipeline reference for scband-parser-model-74448963109259 (READ-ONLY COPY).

The authoritative reference and input builder live on the scoring server;
editing this copy changes nothing except your own understanding.
"""

import jax, jax.numpy as jnp
import numpy as np

VOCAB = 1000000
EMBED = 32
N_FEATURES = 36
HIDDEN = 200
N_CLASSES = 3
BATCH = 16384


def setup_inputs(seed: int = 0) -> dict:
    key = jax.random.key(seed)
    k_w, k_emb, k_w1, k_b1, k_w2, k_b2 = jax.random.split(key, 6)
    w = jax.random.randint(k_w, (BATCH, N_FEATURES), 0, VOCAB, dtype=jnp.int64 if jax.config.read('jax_enable_x64') else jnp.int32).astype(jnp.int32)
    embeddings = jax.random.normal(k_emb, (VOCAB, EMBED), dtype=jnp.float32)
    # hidden / output layer params (xavier-ish init)
    W1 = jax.random.normal(k_w1, (N_FEATURES * EMBED, HIDDEN), dtype=jnp.float32) * (1.0 / np.sqrt(N_FEATURES * EMBED))
    b1 = jnp.zeros((HIDDEN,), dtype=jnp.float32)
    W2 = jax.random.normal(k_w2, (HIDDEN, N_CLASSES), dtype=jnp.float32) * (1.0 / np.sqrt(HIDDEN))
    b2 = jnp.zeros((N_CLASSES,), dtype=jnp.float32)
    return {"w": w, "embeddings": embeddings, "W1": W1, "b1": b1, "W2": W2, "b2": b2}


def reference(w, embeddings, W1, b1, W2, b2):
    # embedding_lookup: gather rows of the embedding table and flatten per example
    x = jnp.take(embeddings, w, axis=0)            # (B, n_features, embed)
    x = x.reshape(x.shape[0], -1)                   # (B, n_features * embed)
    # hidden layer + ReLU
    h = jax.nn.relu(x @ W1 + b1)                    # (B, hidden)
    # output logits (no softmax, matches CrossEntropyLoss convention)
    logits = h @ W2 + b2                            # (B, n_classes)
    return logits

if __name__ == "__main__":
    import jax
    _d = setup_inputs()
    print(jax.jit(kernel)(*tuple(_d.values())))

</pallas_src>

<mosaic_0001>
#map = affine_map<(d0, d1) -> (0)>
#map1 = affine_map<(d0, d1) -> (0, 0)>
#map2 = affine_map<(d0, d1) -> (0, 0, 0)>
module attributes {stable_mosaic.version = 14 : i64} {
  func.func @gather_k(%arg0: i32, %arg1: i32, %arg2: memref<589824xi32, #tpu.memory_space<hbm>>, %arg3: memref<1015808x32xf32, #tpu.memory_space<hbm>>, %arg4: memref<32x144x128xi32, #tpu.memory_space<hbm>>, %arg5: memref<589824x32xf32, #tpu.memory_space<hbm>>, %arg6: memref<18432xi32, #tpu.memory_space<vmem>>, %arg7: memref<144x128xi32, #tpu.memory_space<vmem>>, %arg8: memref<2x1024x32xf32, #tpu.memory_space<vmem>>, %arg9: memref<!tpu.dma_semaphore, #tpu.memory_space<semaphore_mem>>, %arg10: memref<!tpu.dma_semaphore, #tpu.memory_space<semaphore_mem>>) attributes {dimension_semantics = [#tpu.dimension_semantics<core_parallel>, #tpu.dimension_semantics<subcore_parallel>], iteration_bounds = array<i64: 2, 16>, scalar_prefetch = 0 : i64, scratch_operands = 5 : i64, tpu.core_type = #tpu.core_type<sc_vector_subcore>, window_params = [{transform_indices = #map}, {transform_indices = #map1}, {transform_indices = #map2}, {transform_indices = #map1}]} {
    %mul3A = arith.constant 2 : i32
    %mul3A_0 = arith.muli %arg1, %mul3A : i32
    %add3A = arith.addi %mul3A_0, %arg0 : i32
    %mul3A_1 = arith.constant 18432 : i32
    %mul3A_2 = arith.muli %add3A, %mul3A_1 : i32
    "tpu.region"() ({
      %run_scoped3A = tpu.sem_alloc : memref<!tpu.dma_semaphore, #tpu.memory_space<semaphore_mem>>
      %dma_start3A_28 = tpu.memref_slice %arg2[%mul3A_2] : memref<589824xi32, #tpu.memory_space<hbm>> -> memref<18432xi32, #tpu.memory_space<hbm>>
      %dma_start3A_29 = tpu.memref_slice %arg2[%mul3A_2] : memref<589824xi32, #tpu.memory_space<hbm>> -> memref<18432xi32, #tpu.memory_space<hbm>>
      tpu.enqueue_dma source(%dma_start3A_29 : memref<18432xi32, #tpu.memory_space<hbm>>) target(%arg6 : memref<18432xi32, #tpu.memory_space<vmem>>) target_semaphore(%run_scoped3A : memref<!tpu.dma_semaphore, #tpu.memory_space<semaphore_mem>>)
      %dma_wait3A = tpu.memref_slice %arg2[%mul3A_2] : memref<589824xi32, #tpu.memory_space<hbm>> -> memref<18432xi32, #tpu.memory_space<hbm>>
      %dma_wait3A_30 = tpu.memref_slice %arg2[%mul3A_2] : memref<589824xi32, #tpu.memory_space<hbm>> -> memref<18432xi32, #tpu.memory_space<hbm>>
      tpu.wait_dma2 semaphore(%run_scoped3A : memref<!tpu.dma_semaphore, #tpu.memory_space<semaphore_mem>>) src(%dma_wait3A_30 : memref<18432xi32, #tpu.memory_space<hbm>>) dst(%arg6 : memref<18432xi32, #tpu.memory_space<vmem>>)
      tpu.yield
    }) : () -> ()
    "tpu.region"() ({
      %run_scoped3A = tpu.sem_alloc : memref<!tpu.dma_semaphore, #tpu.memory_space<semaphore_mem>>
      %dma_start3A_28 = arith.constant 0 : i32
      %dma_start3A_29 = arith.constant 0 : i32
      %dma_start3A_30 = tpu.memref_slice %arg4[%add3A, %dma_start3A_28, %dma_start3A_29] : memref<32x144x128xi32, #tpu.memory_space<hbm>> -> memref<1x144x128xi32, #tpu.memory_space<hbm>>
      %dma_start3A_31 = tpu.memref_squeeze %dma_start3A_30 : memref<1x144x128xi32, #tpu.memory_space<hbm>> -> memref<144x128xi32, #tpu.memory_space<hbm>>
      %dma_start3A_32 = arith.constant 0 : i32
      %dma_start3A_33 = arith.constant 0 : i32
      %dma_start3A_34 = tpu.memref_slice %arg4[%add3A, %dma_start3A_32, %dma_start3A_33] : memref<32x144x128xi32, #tpu.memory_space<hbm>> -> memref<1x144x128xi32, #tpu.memory_space<hbm>>
      %dma_start3A_35 = tpu.memref_squeeze %dma_start3A_34 : memref<1x144x128xi32, #tpu.memory_space<hbm>> -> memref<144x128xi32, #tpu.memory_space<hbm>>
      tpu.enqueue_dma source(%dma_start3A_35 : memref<144x128xi32, #tpu.memory_space<hbm>>) target(%arg7 : memref<144x128xi32, #tpu.memory_space<vmem>>) target_semaphore(%run_scoped3A : memref<!tpu.dma_semaphore, #tpu.memory_space<semaphore_mem>>)
      %dma_wait3A = arith.constant 0 : i32
      %dma_wait3A_36 = arith.constant 0 : i32
      %dma_wait3A_37 = tpu.memref_slice %arg4[%add3A, %dma_wait3A, %dma_wait3A_36] : memref<32x144x128xi32, #tpu.memory_space<hbm>> -> memref<1x144x128xi32, #tpu.memory_space<hbm>>
      %dma_wait3A_38 = tpu.memref_squeeze %dma_wait3A_37 : memref<1x144x128xi32, #tpu.memory_space<hbm>> -> memref<144x128xi32, #tpu.memory_space<hbm>>
      %dma_wait3A_39 = arith.constant 0 : i32
      %dma_wait3A_40 = arith.constant 0 : i32
      %dma_wait3A_41 = tpu.memref_slice %arg4[%add3A, %dma_wait3A_39, %dma_wait3A_40] : memref<32x144x128xi32, #tpu.memory_space<hbm>> -> memref<1x144x128xi32, #tpu.memory_space<hbm>>
      %dma_wait3A_42 = tpu.memref_squeeze %dma_wait3A_41 : memref<1x144x128xi32, #tpu.memory_space<hbm>> -> memref<144x128xi32, #tpu.memory_space<hbm>>
      tpu.wait_dma2 semaphore(%run_scoped3A : memref<!tpu.dma_semaphore, #tpu.memory_space<semaphore_mem>>) src(%dma_wait3A_42 : memref<144x128xi32, #tpu.memory_space<hbm>>) dst(%arg7 : memref<144x128xi32, #tpu.memory_space<vmem>>)
      tpu.yield
    }) : () -> ()
    %dma_start3A = arith.constant 0 : i32
    %dma_start3A_3 = arith.constant 0 : i32
    %dma_start3A_4 = arith.constant 0 : i32
    %dma_start3A_5 = tpu.memref_slice %arg8[%dma_start3A, %dma_start3A_3, %dma_start3A_4] : memref<2x1024x32xf32, #tpu.memory_space<vmem>> -> memref<1x1024x32xf32, #tpu.memory_space<vmem>>
    %dma_start3A_6 = tpu.memref_squeeze %dma_start3A_5 : memref<1x1024x32xf32, #tpu.memory_space<vmem>> -> memref<1024x32xf32, #tpu.memory_space<vmem>>
    %dma_start3A_7 = arith.constant 0 : i32
    %dma_start3A_8 = tpu.memref_slice %arg6[%dma_start3A_7] : memref<18432xi32, #tpu.memory_space<vmem>> -> memref<1024xi32, #tpu.memory_space<vmem>>
    %dma_start3A_9 = arith.constant 0 : i32
    %dma_start3A_10 = arith.constant 0 : i32
    %dma_start3A_11 = tpu.memref_slice %arg3[%dma_start3A_9, %dma_start3A_10] : memref<1015808x32xf32, #tpu.memory_space<hbm>> -> memref<1015808x32xf32, #tpu.memory_space<hbm>>
    tpu.enqueue_indirect_dma source(%dma_start3A_11 : memref<1015808x32xf32, #tpu.memory_space<hbm>>) target(%dma_start3A_6 : memref<1024x32xf32, #tpu.memory_space<vmem>>) offsets(%dma_start3A_8 : memref<1024xi32, #tpu.memory_space<vmem>>) semaphore(%arg9 : memref<!tpu.dma_semaphore, #tpu.memory_space<semaphore_mem>>)
    %dma_start3A_12 = arith.constant 1 : i32
    %dma_start3A_13 = arith.constant 0 : i32
    %dma_start3A_14 = arith.constant 0 : i32
    %dma_start3A_15 = tpu.memref_slice %arg8[%dma_start3A_12, %dma_start3A_13, %dma_start3A_14] : memref<2x1024x32xf32, #tpu.memory_space<vmem>> -> memref<1x1024x32xf32, #tpu.memory_space<vmem>>
    %dma_start3A_16 = tpu.memref_squeeze %dma_start3A_15 : memref<1x1024x32xf32, #tpu.memory_space<vmem>> -> memref<1024x32xf32, #tpu.memory_space<vmem>>
    %dma_start3A_17 = arith.constant 1024 : i32
    %dma_start3A_18 = tpu.memref_slice %arg6[%dma_start3A_17] : memref<18432xi32, #tpu.memory_space<vmem>> -> memref<1024xi32, #tpu.memory_space<vmem>>
    %dma_start3A_19 = arith.constant 0 : i32
    %dma_start3A_20 = arith.constant 0 : i32
    %dma_start3A_21 = tpu.memref_slice %arg3[%dma_start3A_19, %dma_start3A_20] : memref<1015808x32xf32, #tpu.memory_space<hbm>> -> memref<1015808x32xf32, #tpu.memory_space<hbm>>
    tpu.enqueue_indirect_dma source(%dma_start3A_21 : memref<1015808x32xf32, #tpu.memory_space<hbm>>) target(%dma_start3A_16 : memref<1024x32xf32, #tpu.memory_space<vmem>>) offsets(%dma_start3A_18 : memref<1024xi32, #tpu.memory_space<vmem>>) semaphore(%arg9 : memref<!tpu.dma_semaphore, #tpu.memory_space<semaphore_mem>>)
    %scan3A = arith.constant 0 : i32
    %scan3A_22 = arith.constant 0 : i32
    %scan3A_23 = arith.constant 9 : i32
    %scan3A_24 = arith.addi %scan3A_22, %scan3A_23 : i32
    %scan3A_25 = arith.constant 1 : i32
    %scan3A_26 = scf.for %scan3A_28 = %scan3A_22 to %scan3A_24 step %scan3A_25 iter_args(%scan3A_29 = %scan3A) -> (i32)  : i32 {
      %mul3A_30 = arith.constant 2 : i32
      %mul3A_31 = arith.muli %scan3A_28, %mul3A_30 : i32
      %add3A_32 = arith.constant 0 : i32
      %add3A_33 = arith.addi %mul3A_31, %add3A_32 : i32
      %dma_wait3A = arith.constant 0 : i32
      %dma_wait3A_34 = arith.constant 0 : i32
      %dma_wait3A_35 = arith.constant 0 : i32
      %dma_wait3A_36 = tpu.memref_slice %arg8[%dma_wait3A, %dma_wait3A_34, %dma_wait3A_35] : memref<2x1024x32xf32, #tpu.memory_space<vmem>> -> memref<1x1024x32xf32, #tpu.memory_space<vmem>>
      %dma_wait3A_37 = tpu.memref_squeeze %dma_wait3A_36 : memref<1x1024x32xf32, #tpu.memory_space<vmem>> -> memref<1024x32xf32, #tpu.memory_space<vmem>>
      %dma_wait3A_38 = arith.constant 0 : i32
      %dma_wait3A_39 = tpu.memref_slice %arg6[%dma_wait3A_38] : memref<18432xi32, #tpu.memory_space<vmem>> -> memref<1024xi32, #tpu.memory_space<vmem>>
      %dma_wait3A_40 = arith.constant 0 : i32
      %dma_wait3A_41 = arith.constant 0 : i32
      %dma_wait3A_42 = tpu.memref_slice %arg3[%dma_wait3A_40, %dma_wait3A_41] : memref<1015808x32xf32, #tpu.memory_space<hbm>> -> memref<1015808x32xf32, #tpu.memory_space<hbm>>
      tpu.wait_indirect_dma semaphore(%arg9 : memref<!tpu.dma_semaphore, #tpu.memory_space<semaphore_mem>>) src(%dma_wait3A_42 : memref<1015808x32xf32, #tpu.memory_space<hbm>>) dst(%dma_wait3A_37 : memref<1024x32xf32, #tpu.memory_space<vmem>>)
      %mul3A_43 = arith.constant 8 : i32
      %mul3A_44 = arith.muli %add3A_33, %mul3A_43 : i32
      %add3A_45 = arith.constant 0 : i32
      %add3A_46 = arith.addi %mul3A_44, %add3A_45 : i32
      %dma_start3A_47 = arith.constant 0 : i32
      %dma_start3A_48 = arith.constant 0 : i32
      %dma_start3A_49 = arith.constant 0 : i32
      %dma_start3A_50 = tpu.memref_slice %arg8[%dma_start3A_47, %dma_start3A_48, %dma_start3A_49] : memref<2x1024x32xf32, #tpu.memory_space<vmem>> -> memref<1x1024x32xf32, #tpu.memory_space<vmem>>
      %dma_start3A_51 = tpu.memref_squeeze %dma_start3A_50 : memref<1x1024x32xf32, #tpu.memory_space<vmem>> -> memref<1024x32xf32, #tpu.memory_space<vmem>>
      %dma_start3A_52 = arith.constant 0 : i32
      %dma_start3A_53 = arith.constant 0 : i32
      %dma_start3A_54 = tpu.memref_slice %dma_start3A_51[%dma_start3A_52, %dma_start3A_53] : memref<1024x32xf32, #tpu.memory_space<vmem>> -> memref<128x32xf32, #tpu.memory_space<vmem>>
      %dma_start3A_55 = arith.constant 0 : i32
      %dma_start3A_56 = tpu.memref_slice %arg7[%add3A_46, %dma_start3A_55] : memref<144x128xi32, #tpu.memory_space<vmem>> -> memref<1x128xi32, #tpu.memory_space<vmem>>
      %dma_start3A_57 = tpu.memref_squeeze %dma_start3A_56 : memref<1x128xi32, #tpu.memory_space<vmem>> -> memref<128xi32, #tpu.memory_space<vmem>>
      %dma_start3A_58 = arith.constant 0 : i32
      %dma_start3A_59 = arith.constant 0 : i32
      %dma_start3A_60 = tpu.memref_slice %arg5[%dma_start3A_58, %dma_start3A_59] : memref<589824x32xf32, #tpu.memory_space<hbm>> -> memref<589824x32xf32, #tpu.memory_space<hbm>>
      tpu.enqueue_indirect_dma source(%dma_start3A_54 : memref<128x32xf32, #tpu.memory_space<vmem>>) target(%dma_start3A_60 : memref<589824x32xf32, #tpu.memory_space<hbm>>) offsets(%dma_start3A_57 : memref<128xi32, #tpu.memory_space<vmem>>) semaphore(%arg10 : memref<!tpu.dma_semaphore, #tpu.memory_space<semaphore_mem>>)
      %mul3A_61 = arith.constant 8 : i32
      %mul3A_62 = arith.muli %add3A_33, %mul3A_61 : i32
      %add3A_63 = arith.constant 1 : i32
      %add3A_64 = arith.addi %mul3A_62, %add3A_63 : i32
      %dma_start3A_65 = arith.constant 0 : i32
      %dma_start3A_66 = arith.constant 0 : i32
      %dma_start3A_67 = arith.constant 0 : i32
      %dma_start3A_68 = tpu.memref_slice %arg8[%dma_start3A_65, %dma_start3A_66, %dma_start3A_67] : memref<2x1024x32xf32, #tpu.memory_space<vmem>> -> memref<1x1024x32xf32, #tpu.memory_space<vmem>>
      %dma_start3A_69 = tpu.memref_squeeze %dma_start3A_68 : memref<1x1024x32xf32, #tpu.memory_space<vmem>> -> memref<1024x32xf32, #tpu.memory_space<vmem>>
      %dma_start3A_70 = arith.constant 128 : i32
      %dma_start3A_71 = arith.constant 0 : i32
      %dma_start3A_72 = tpu.memref_slice %dma_start3A_69[%dma_start3A_70, %dma_start3A_71] : memref<1024x32xf32, #tpu.memory_space<vmem>> -> memref<128x32xf32, #tpu.memory_space<vmem>>
      %dma_start3A_73 = arith.constant 0 : i32
      %dma_start3A_74 = tpu.memref_slice %arg7[%add3A_64, %dma_start3A_73] : memref<144x128xi32, #tpu.memory_space<vmem>> -> memref<1x128xi32, #tpu.memory_space<vmem>>
      %dma_start3A_75 = tpu.memref_squeeze %dma_start3A_74 : memref<1x128xi32, #tpu.memory_space<vmem>> -> memref<128xi32, #tpu.memory_space<vmem>>
      %dma_start3A_76 = arith.constant 0 : i32
      %dma_start3A_77 = arith.constant 0 : i32
      %dma_start3A_78 = tpu.memref_slice %arg5[%dma_start3A_76, %dma_start3A_77] : memref<589824x32xf32, #tpu.memory_space<hbm>> -> memref<589824x32xf32, #tpu.memory_space<hbm>>
      tpu.enqueue_indirect_dma source(%dma_start3A_72 : memref<128x32xf32, #tpu.memory_space<vmem>>) target(%dma_start3A_78 : memref<589824x32xf32, #tpu.memory_space<hbm>>) offsets(%dma_start3A_75 : memref<128xi32, #tpu.memory_space<vmem>>) semaphore(%arg10 : memref<!tpu.dma_semaphore, #tpu.memory_space<semaphore_mem>>)
      %mul3A_79 = arith.constant 8 : i32
      %mul3A_80 = arith.muli %add3A_33, %mul3A_79 : i32
      %add3A_81 = arith.constant 2 : i32
      %add3A_82 = arith.addi %mul3A_80, %add3A_81 : i32
      %dma_start3A_83 = arith.constant 0 : i32
      %dma_start3A_84 = arith.constant 0 : i32
      %dma_start3A_85 = arith.constant 0 : i32
      %dma_start3A_86 = tpu.memref_slice %arg8[%dma_start3A_83, %dma_start3A_84, %dma_start3A_85] : memref<2x1024x32xf32, #tpu.memory_space<vmem>> -> memref<1x1024x32xf32, #tpu.memory_space<vmem>>
      %dma_start3A_87 = tpu.memref_squeeze %dma_start3A_86 : memref<1x1024x32xf32, #tpu.memory_space<vmem>> -> memref<1024x32xf32, #tpu.memory_space<vmem>>
      %dma_start3A_88 = arith.constant 256 : i32
      %dma_start3A_89 = arith.constant 0 : i32
      %dma_start3A_90 = tpu.memref_slice %dma_start3A_87[%dma_start3A_88, %dma_start3A_89] : memref<1024x32xf32, #tpu.memory_space<vmem>> -> memref<128x32xf32, #tpu.memory_space<vmem>>
      %dma_start3A_91 = arith.constant 0 : i32
      %dma_start3A_92 = tpu.memref_slice %arg7[%add3A_82, %dma_start3A_91] : memref<144x128xi32, #tpu.memory_space<vmem>> -> memref<1x128xi32, #tpu.memory_space<vmem>>
      %dma_start3A_93 = tpu.memref_squeeze %dma_start3A_92 : memref<1x128xi32, #tpu.memory_space<vmem>> -> memref<128xi32, #tpu.memory_space<vmem>>
      %dma_start3A_94 = arith.constant 0 : i32
      %dma_start3A_95 = arith.constant 0 : i32
      %dma_start3A_96 = tpu.memref_slice %arg5[%dma_start3A_94, %dma_start3A_95] : memref<589824x32xf32, #tpu.memory_space<hbm>> -> memref<589824x32xf32, #tpu.memory_space<hbm>>
      tpu.enqueue_indirect_dma source(%dma_start3A_90 : memref<128x32xf32, #tpu.memory_space<vmem>>) target(%dma_start3A_96 : memref<589824x32xf32, #tpu.memory_space<hbm>>) offsets(%dma_start3A_93 : memref<128xi32, #tpu.memory_space<vmem>>) semaphore(%arg10 : memref<!tpu.dma_semaphore, #tpu.memory_space<semaphore_mem>>)
      %mul3A_97 = arith.constant 8 : i32
      %mul3A_98 = arith.muli %add3A_33, %mul3A_97 : i32
      %add3A_99 = arith.constant 3 : i32
      %add3A_100 = arith.addi %mul3A_98, %add3A_99 : i32
      %dma_start3A_101 = arith.constant 0 : i32
      %dma_start3A_102 = arith.constant 0 : i32
      %dma_start3A_103 = arith.constant 0 : i32
      %dma_start3A_104 = tpu.memref_slice %arg8[%dma_start3A_101, %dma_start3A_102, %dma_start3A_103] : memref<2x1024x32xf32, #tpu.memory_space<vmem>> -> memref<1x1024x32xf32, #tpu.memory_space<vmem>>
      %dma_start3A_105 = tpu.memref_squeeze %dma_start3A_104 : memref<1x1024x32xf32, #tpu.memory_space<vmem>> -> memref<1024x32xf32, #tpu.memory_space<vmem>>
      %dma_start3A_106 = arith.constant 384 : i32
      %dma_start3A_107 = arith.constant 0 : i32
      %dma_start3A_108 = tpu.memref_slice %dma_start3A_105[%dma_start3A_106, %dma_start3A_107] : memref<1024x32xf32, #tpu.memory_space<vmem>> -> memref<128x32xf32, #tpu.memory_space<vmem>>
      %dma_start3A_109 = arith.constant 0 : i32
      %dma_start3A_110 = tpu.memref_slice %arg7[%add3A_100, %dma_start3A_109] : memref<144x128xi32, #tpu.memory_space<vmem>> -> memref<1x128xi32, #tpu.memory_space<vmem>>
      %dma_start3A_111 = tpu.memref_squeeze %dma_start3A_110 : memref<1x128xi32, #tpu.memory_space<vmem>> -> memref<128xi32, #tpu.memory_space<vmem>>
      %dma_start3A_112 = arith.constant 0 : i32
      %dma_start3A_113 = arith.constant 0 : i32
      %dma_start3A_114 = tpu.memref_slice %arg5[%dma_start3A_112, %dma_start3A_113] : memref<589824x32xf32, #tpu.memory_space<hbm>> -> memref<589824x32xf32, #tpu.memory_space<hbm>>
      tpu.enqueue_indirect_dma source(%dma_start3A_108 : memref<128x32xf32, #tpu.memory_space<vmem>>) target(%dma_start3A_114 : memref<589824x32xf32, #tpu.memory_space<hbm>>) offsets(%dma_start3A_111 : memref<128xi32, #tpu.memory_space<vmem>>) semaphore(%arg10 : memref<!tpu.dma_semaphore, #tpu.memory_space<semaphore_mem>>)
      %mul3A_115 = arith.constant 8 : i32
      %mul3A_116 = arith.muli %add3A_33, %mul3A_115 : i32
      %add3A_117 = arith.constant 4 : i32
      %add3A_118 = arith.addi %mul3A_116, %add3A_117 : i32
      %dma_start3A_119 = arith.constant 0 : i32
      %dma_start3A_120 = arith.constant 0 : i32
      %dma_start3A_121 = arith.constant 0 : i32
      %dma_start3A_122 = tpu.memref_slice %arg8[%dma_start3A_119, %dma_start3A_120, %dma_start3A_121] : memref<2x1024x32xf32, #tpu.memory_space<vmem>> -> memref<1x1024x32xf32, #tpu.memory_space<vmem>>
      %dma_start3A_123 = tpu.memref_squeeze %dma_start3A_122 : memref<1x1024x32xf32, #tpu.memory_space<vmem>> -> memref<1024x32xf32, #tpu.memory_space<vmem>>
      %dma_start3A_124 = arith.constant 512 : i32
      %dma_start3A_125 = arith.constant 0 : i32
      %dma_start3A_126 = tpu.memref_slice %dma_start3A_123[%dma_start3A_124, %dma_start3A_125] : memref<1024x32xf32, #tpu.memory_space<vmem>> -> memref<128x32xf32, #tpu.memory_space<vmem>>
      %dma_start3A_127 = arith.constant 0 : i32
      %dma_start3A_128 = tpu.memref_slice %arg7[%add3A_118, %dma_start3A_127] : memref<144x128xi32, #tpu.memory_space<vmem>> -> memref<1x128xi32, #tpu.memory_space<vmem>>
      %dma_start3A_129 = tpu.memref_squeeze %dma_start3A_128 : memref<1x128xi32, #tpu.memory_space<vmem>> -> memref<128xi32, #tpu.memory_space<vmem>>
      %dma_start3A_130 = arith.constant 0 : i32
      %dma_start3A_131 = arith.constant 0 : i32
      %dma_start3A_132 = tpu.memref_slice %arg5[%dma_start3A_130, %dma_start3A_131] : memref<589824x32xf32, #tpu.memory_space<hbm>> -> memref<589824x32xf32, #tpu.memory_space<hbm>>
      tpu.enqueue_indirect_dma source(%dma_start3A_126 : memref<128x32xf32, #tpu.memory_space<vmem>>) target(%dma_start3A_132 : memref<589824x32xf32, #tpu.memory_space<hbm>>) offsets(%dma_start3A_129 : memref<128xi32, #tpu.memory_space<vmem>>) semaphore(%arg10 : memref<!tpu.dma_semaphore, #tpu.memory_space<semaphore_mem>>)
      %mul3A_133 = arith.constant 8 : i32
      %mul3A_134 = arith.muli %add3A_33, %mul3A_133 : i32
      %add3A_135 = arith.constant 5 : i32
      %add3A_136 = arith.addi %mul3A_134, %add3A_135 : i32
      %dma_start3A_137 = arith.constant 0 : i32
      %dma_start3A_138 = arith.constant 0 : i32
      %dma_start3A_139 = arith.constant 0 : i32
      %dma_start3A_140 = tpu.memref_slice %arg8[%dma_start3A_137, %dma_start3A_138, %dma_start3A_139] : memref<2x1024x32xf32, #tpu.memory_space<vmem>> -> memref<1x1024x32xf32, #tpu.memory_space<vmem>>
      %dma_start3A_141 = tpu.memref_squeeze %dma_start3A_140 : memref<1x1024x32xf32, #tpu.memory_space<vmem>> -> memref<1024x32xf32, #tpu.memory_space<vmem>>
      %dma_start3A_142 = arith.constant 640 : i32
      %dma_start3A_143 = arith.constant 0 : i32
      %dma_start3A_144 = tpu.memref_slice %dma_start3A_141[%dma_start3A_142, %dma_start3A_143] : memref<1024x32xf32, #tpu.memory_space<vmem>> -> memref<128x32xf32, #tpu.memory_space<vmem>>
      %dma_start3A_145 = arith.constant 0 : i32
      %dma_start3A_146 = tpu.memref_slice %arg7[%add3A_136, %dma_start3A_145] : memref<144x128xi32, #tpu.memory_space<vmem>> -> memref<1x128xi32, #tpu.memory_space<vmem>>
      %dma_start3A_147 = tpu.memref_squeeze %dma_start3A_146 : memref<1x128xi32, #tpu.memory_space<vmem>> -> memref<128xi32, #tpu.memory_space<vmem>>
      %dma_start3A_148 = arith.constant 0 : i32
      %dma_start3A_149 = arith.constant 0 : i32
      %dma_start3A_150 = tpu.memref_slice %arg5[%dma_start3A_148, %dma_start3A_149] : memref<589824x32xf32, #tpu.memory_space<hbm>> -> memref<589824x32xf32, #tpu.memory_space<hbm>>
      tpu.enqueue_indirect_dma source(%dma_start3A_144 : memref<128x32xf32, #tpu.memory_space<vmem>>) target(%dma_start3A_150 : memref<589824x32xf32, #tpu.memory_space<hbm>>) offsets(%dma_start3A_147 : memref<128xi32, #tpu.memory_space<vmem>>) semaphore(%arg10 : memref<!tpu.dma_semaphore, #tpu.memory_space<semaphore_mem>>)
      %mul3A_151 = arith.constant 8 : i32
      %mul3A_152 = arith.muli %add3A_33, %mul3A_151 : i32
      %add3A_153 = arith.constant 6 : i32
      %add3A_154 = arith.addi %mul3A_152, %add3A_153 : i32
      %dma_start3A_155 = arith.constant 0 : i32
      %dma_start3A_156 = arith.constant 0 : i32
      %dma_start3A_157 = arith.constant 0 : i32
      %dma_start3A_158 = tpu.memref_slice %arg8[%dma_start3A_155, %dma_start3A_156, %dma_start3A_157] : memref<2x1024x32xf32, #tpu.memory_space<vmem>> -> memref<1x1024x32xf32, #tpu.memory_space<vmem>>
      %dma_start3A_159 = tpu.memref_squeeze %dma_start3A_158 : memref<1x1024x32xf32, #tpu.memory_space<vmem>> -> memref<1024x32xf32, #tpu.memory_space<vmem>>
      %dma_start3A_160 = arith.constant 768 : i32
      %dma_start3A_161 = arith.constant 0 : i32
      %dma_start3A_162 = tpu.memref_slice %dma_start3A_159[%dma_start3A_160, %dma_start3A_161] : memref<1024x32xf32, #tpu.memory_space<vmem>> -> memref<128x32xf32, #tpu.memory_space<vmem>>
      %dma_start3A_163 = arith.constant 0 : i32
      %dma_start3A_164 = tpu.memref_slice %arg7[%add3A_154, %dma_start3A_163] : memref<144x128xi32, #tpu.memory_space<vmem>> -> memref<1x128xi32, #tpu.memory_space<vmem>>
      %dma_start3A_165 = tpu.memref_squeeze %dma_start3A_164 : memref<1x128xi32, #tpu.memory_space<vmem>> -> memref<128xi32, #tpu.memory_space<vmem>>
      %dma_start3A_166 = arith.constant 0 : i32
      %dma_start3A_167 = arith.constant 0 : i32
      %dma_start3A_168 = tpu.memref_slice %arg5[%dma_start3A_166, %dma_start3A_167] : memref<589824x32xf32, #tpu.memory_space<hbm>> -> memref<589824x32xf32, #tpu.memory_space<hbm>>
      tpu.enqueue_indirect_dma source(%dma_start3A_162 : memref<128x32xf32, #tpu.memory_space<vmem>>) target(%dma_start3A_168 : memref<589824x32xf32, #tpu.memory_space<hbm>>) offsets(%dma_start3A_165 : memref<128xi32, #tpu.memory_space<vmem>>) semaphore(%arg10 : memref<!tpu.dma_semaphore, #tpu.memory_space<semaphore_mem>>)
      %mul3A_169 = arith.constant 8 : i32
      %mul3A_170 = arith.muli %add3A_33, %mul3A_169 : i32
      %add3A_171 = arith.constant 7 : i32
      %add3A_172 = arith.addi %mul3A_170, %add3A_171 : i32
      %dma_start3A_173 = arith.constant 0 : i32
      %dma_start3A_174 = arith.constant 0 : i32
      %dma_start3A_175 = arith.constant 0 : i32
      %dma_start3A_176 = tpu.memref_slice %arg8[%dma_start3A_173, %dma_start3A_174, %dma_start3A_175] : memref<2x1024x32xf32, #tpu.memory_space<vmem>> -> memref<1x1024x32xf32, #tpu.memory_space<vmem>>
      %dma_start3A_177 = tpu.memref_squeeze %dma_start3A_176 : memref<1x1024x32xf32, #tpu.memory_space<vmem>> -> memref<1024x32xf32, #tpu.memory_space<vmem>>
      %dma_start3A_178 = arith.constant 896 : i32
      %dma_start3A_179 = arith.constant 0 : i32
      %dma_start3A_180 = tpu.memref_slice %dma_start3A_177[%dma_start3A_178, %dma_start3A_179] : memref<1024x32xf32, #tpu.memory_space<vmem>> -> memref<128x32xf32, #tpu.memory_space<vmem>>
      %dma_start3A_181 = arith.constant 0 : i32
      %dma_start3A_182 = tpu.memref_slice %arg7[%add3A_172, %dma_start3A_181] : memref<144x128xi32, #tpu.memory_space<vmem>> -> memref<1x128xi32, #tpu.memory_space<vmem>>
      %dma_start3A_183 = tpu.memref_squeeze %dma_start3A_182 : memref<1x128xi32, #tpu.memory_space<vmem>> -> memref<128xi32, #tpu.memory_space<vmem>>
      %dma_start3A_184 = arith.constant 0 : i32
      %dma_start3A_185 = arith.constant 0 : i32
      %dma_start3A_186 = tpu.memref_slice %arg5[%dma_start3A_184, %dma_start3A_185] : memref<589824x32xf32, #tpu.memory_space<hbm>> -> memref<589824x32xf32, #tpu.memory_space<hbm>>
      tpu.enqueue_indirect_dma source(%dma_start3A_180 : memref<128x32xf32, #tpu.memory_space<vmem>>) target(%dma_start3A_186 : memref<589824x32xf32, #tpu.memory_space<hbm>>) offsets(%dma_start3A_183 : memref<128xi32, #tpu.memory_space<vmem>>) semaphore(%arg10 : memref<!tpu.dma_semaphore, #tpu.memory_space<semaphore_mem>>)
      %dma_wait3A_187 = arith.constant 0 : i32
      %dma_wait3A_188 = arith.constant 0 : i32
      %dma_wait3A_189 = arith.constant 0 : i32
      %dma_wait3A_190 = arith.constant 0 : i32
      %dma_wait3A_191 = tpu.memref_slice %arg8[%dma_wait3A_187, %dma_wait3A_189, %dma_wait3A_190] : memref<2x1024x32xf32, #tpu.memory_space<vmem>> -> memref<1x1024x32xf32, #tpu.memory_space<vmem>>
      %dma_wait3A_192 = tpu.memref_squeeze %dma_wait3A_191 : memref<1x1024x32xf32, #tpu.memory_space<vmem>> -> memref<1024x32xf32, #tpu.memory_space<vmem>>
      %dma_wait3A_193 = arith.constant 0 : i32
      %dma_wait3A_194 = arith.constant 0 : i32
      %dma_wait3A_195 = tpu.memref_slice %dma_wait3A_192[%dma_wait3A_193, %dma_wait3A_194] : memref<1024x32xf32, #tpu.memory_space<vmem>> -> memref<128x32xf32, #tpu.memory_space<vmem>>
      %dma_wait3A_196 = arith.constant 0 : i32
      %dma_wait3A_197 = tpu.memref_slice %arg7[%dma_wait3A_188, %dma_wait3A_196] : memref<144x128xi32, #tpu.memory_space<vmem>> -> memref<1x128xi32, #tpu.memory_space<vmem>>
      %dma_wait3A_198 = tpu.memref_squeeze %dma_wait3A_197 : memref<1x128xi32, #tpu.memory_space<vmem>> -> memref<128xi32, #tpu.memory_space<vmem>>
      %dma_wait3A_199 = arith.constant 0 : i32
      %dma_wait3A_200 = arith.constant 0 : i32
      %dma_wait3A_201 = tpu.memref_slice %arg5[%dma_wait3A_199, %dma_wait3A_200] : memref<589824x32xf32, #tpu.memory_space<hbm>> -> memref<589824x32xf32, #tpu.memory_space<hbm>>
      tpu.wait_indirect_dma semaphore(%arg10 : memref<!tpu.dma_semaphore, #tpu.memory_space<semaphore_mem>>) src(%dma_wait3A_195 : memref<128x32xf32, #tpu.memory_space<vmem>>) dst(%dma_wait3A_201 : memref<589824x32xf32, #tpu.memory_space<hbm>>)
      %dma_wait3A_202 = arith.constant 0 : i32
      %dma_wait3A_203 = arith.constant 1 : i32
      %dma_wait3A_204 = arith.constant 0 : i32
      %dma_wait3A_205 = arith.constant 0 : i32
      %dma_wait3A_206 = tpu.memref_slice %arg8[%dma_wait3A_202, %dma_wait3A_204, %dma_wait3A_205] : memref<2x1024x32xf32, #tpu.memory_space<vmem>> -> memref<1x1024x32xf32, #tpu.memory_space<vmem>>
      %dma_wait3A_207 = tpu.memref_squeeze %dma_wait3A_206 : memref<1x1024x32xf32, #tpu.memory_space<vmem>> -> memref<1024x32xf32, #tpu.memory_space<vmem>>
      %dma_wait3A_208 = arith.constant 128 : i32
      %dma_wait3A_209 = arith.constant 0 : i32
      %dma_wait3A_210 = tpu.memref_slice %dma_wait3A_207[%dma_wait3A_208, %dma_wait3A_209] : memref<1024x32xf32, #tpu.memory_space<vmem>> -> memref<128x32xf32, #tpu.memory_space<vmem>>
      %dma_wait3A_211 = arith.constant 0 : i32
      %dma_wait3A_212 = tpu.memref_slice %arg7[%dma_wait3A_203, %dma_wait3A_211] : memref<144x128xi32, #tpu.memory_space<vmem>> -> memref<1x128xi32, #tpu.memory_space<vmem>>
      %dma_wait3A_213 = tpu.memref_squeeze %dma_wait3A_212 : memref<1x128xi32, #tpu.memory_space<vmem>> -> memref<128xi32, #tpu.memory_space<vmem>>
      %dma_wait3A_214 = arith.constant 0 : i32
      %dma_wait3A_215 = arith.constant 0 : i32
      %dma_wait3A_216 = tpu.memref_slice %arg5[%dma_wait3A_214, %dma_wait3A_215] : memref<589824x32xf32, #tpu.memory_space<hbm>> -> memref<589824x32xf32, #tpu.memory_space<hbm>>
      tpu.wait_indirect_dma semaphore(%arg10 : memref<!tpu.dma_semaphore, #tpu.memory_space<semaphore_mem>>) src(%dma_wait3A_210 : memref<128x32xf32, #tpu.memory_space<vmem>>) dst(%dma_wait3A_216 : memref<589824x32xf32, #tpu.memory_space<hbm>>)
      %dma_wait3A_217 = arith.constant 0 : i32
      %dma_wait3A_218 = arith.constant 2 : i32
      %dma_wait3A_219 = arith.constant 0 : i32
      %dma_wait3A_220 = arith.constant 0 : i32
      %dma_wait3A_221 = tpu.memref_slice %arg8[%dma_wait3A_217, %dma_wait3A_219, %dma_wait3A_220] : memref<2x1024x32xf32, #tpu.memory_space<vmem>> -> memref<1x1024x32xf32, #tpu.memory_space<vmem>>
      %dma_wait3A_222 = tpu.memref_squeeze %dma_wait3A_221 : memref<1x1024x32xf32, #tpu.memory_space<vmem>> -> memref<1024x32xf32, #tpu.memory_space<vmem>>
      %dma_wait3A_223 = arith.constant 256 : i32
      %dma_wait3A_224 = arith.constant 0 : i32
      %dma_wait3A_225 = tpu.memref_slice %dma_wait3A_222[%dma_wait3A_223, %dma_wait3A_224] : memref<1024x32xf32, #tpu.memory_space<vmem>> -> memref<128x32xf32, #tpu.memory_space<vmem>>
      %dma_wait3A_226 = arith.constant 0 : i32
      %dma_wait3A_227 = tpu.memref_slice %arg7[%dma_wait3A_218, %dma_wait3A_226] : memref<144x128xi32, #tpu.memory_space<vmem>> -> memref<1x128xi32, #tpu.memory_space<vmem>>
      %dma_wait3A_228 = tpu.memref_squeeze %dma_wait3A_227 : memref<1x128xi32, #tpu.memory_space<vmem>> -> memref<128xi32, #tpu.memory_space<vmem>>
      %dma_wait3A_229 = arith.constant 0 : i32
      %dma_wait3A_230 = arith.constant 0 : i32
      %dma_wait3A_231 = tpu.memref_slice %arg5[%dma_wait3A_229, %dma_wait3A_230] : memref<589824x32xf32, #tpu.memory_space<hbm>> -> memref<589824x32xf32, #tpu.memory_space<hbm>>
      tpu.wait_indirect_dma semaphore(%arg10 : memref<!tpu.dma_semaphore, #tpu.memory_space<semaphore_mem>>) src(%dma_wait3A_225 : memref<128x32xf32, #tpu.memory_space<vmem>>) dst(%dma_wait3A_231 : memref<589824x32xf32, #tpu.memory_space<hbm>>)
      %dma_wait3A_232 = arith.constant 0 : i32
      %dma_wait3A_233 = arith.constant 3 : i32
      %dma_wait3A_234 = arith.constant 0 : i32
      %dma_wait3A_235 = arith.constant 0 : i32
      %dma_wait3A_236 = tpu.memref_slice %arg8[%dma_wait3A_232, %dma_wait3A_234, %dma_wait3A_235] : memref<2x1024x32xf32, #tpu.memory_space<vmem>> -> memref<1x1024x32xf32, #tpu.memory_space<vmem>>
      %dma_wait3A_237 = tpu.memref_squeeze %dma_wait3A_236 : memref<1x1024x32xf32, #tpu.memory_space<vmem>> -> memref<1024x32xf32, #tpu.memory_space<vmem>>
      %dma_wait3A_238 = arith.constant 384 : i32
      %dma_wait3A_239 = arith.constant 0 : i32
      %dma_wait3A_240 = tpu.memref_slice %dma_wait3A_237[%dma_wait3A_238, %dma_wait3A_239] : memref<1024x32xf32, #tpu.memory_space<vmem>> -> memref<128x32xf32, #tpu.memory_space<vmem>>
      %dma_wait3A_241 = arith.constant 0 : i32
      %dma_wait3A_242 = tpu.memref_slice %arg7[%dma_wait3A_233, %dma_wait3A_241] : memref<144x128xi32, #tpu.memory_space<vmem>> -> memref<1x128xi32, #tpu.memory_space<vmem>>
      %dma_wait3A_243 = tpu.memref_squeeze %dma_wait3A_242 : memref<1x128xi32, #tpu.memory_space<vmem>> -> memref<128xi32, #tpu.memory_space<vmem>>
      %dma_wait3A_244 = arith.constant 0 : i32
      %dma_wait3A_245 = arith.constant 0 : i32
      %dma_wait3A_246 = tpu.memref_slice %arg5[%dma_wait3A_244, %dma_wait3A_245] : memref<589824x32xf32, #tpu.memory_space<hbm>> -> memref<589824x32xf32, #tpu.memory_space<hbm>>
      tpu.wait_indirect_dma semaphore(%arg10 : memref<!tpu.dma_semaphore, #tpu.memory_space<semaphore_mem>>) src(%dma_wait3A_240 : memref<128x32xf32, #tpu.memory_space<vmem>>) dst(%dma_wait3A_246 : memref<589824x32xf32, #tpu.memory_space<hbm>>)
      %dma_wait3A_247 = arith.constant 0 : i32
      %dma_wait3A_248 = arith.constant 4 : i32
      %dma_wait3A_249 = arith.constant 0 : i32
      %dma_wait3A_250 = arith.constant 0 : i32
      %dma_wait3A_251 = tpu.memref_slice %arg8[%dma_wait3A_247, %dma_wait3A_249, %dma_wait3A_250] : memref<2x1024x32xf32, #tpu.memory_space<vmem>> -> memref<1x1024x32xf32, #tpu.memory_space<vmem>>
      %dma_wait3A_252 = tpu.memref_squeeze %dma_wait3A_251 : memref<1x1024x32xf32, #tpu.memory_space<vmem>> -> memref<1024x32xf32, #tpu.memory_space<vmem>>
      %dma_wait3A_253 = arith.constant 512 : i32
      %dma_wait3A_254 = arith.constant 0 : i32
      %dma_wait3A_255 = tpu.memref_slice %dma_wait3A_252[%dma_wait3A_253, %dma_wait3A_254] : memref<1024x32xf32, #tpu.memory_space<vmem>> -> memref<128x32xf32, #tpu.memory_space<vmem>>
      %dma_wait3A_256 = arith.constant 0 : i32
      %dma_wait3A_257 = tpu.memref_slice %arg7[%dma_wait3A_248, %dma_wait3A_256] : memref<144x128xi32, #tpu.memory_space<vmem>> -> memref<1x128xi32, #tpu.memory_space<vmem>>
      %dma_wait3A_258 = tpu.memref_squeeze %dma_wait3A_257 : memref<1x128xi32, #tpu.memory_space<vmem>> -> memref<128xi32, #tpu.memory_space<vmem>>
      %dma_wait3A_259 = arith.constant 0 : i32
      %dma_wait3A_260 = arith.constant 0 : i32
      %dma_wait3A_261 = tpu.memref_slice %arg5[%dma_wait3A_259, %dma_wait3A_260] : memref<589824x32xf32, #tpu.memory_space<hbm>> -> memref<589824x32xf32, #tpu.memory_space<hbm>>
      tpu.wait_indirect_dma semaphore(%arg10 : memref<!tpu.dma_semaphore, #tpu.memory_space<semaphore_mem>>) src(%dma_wait3A_255 : memref<128x32xf32, #tpu.memory_space<vmem>>) dst(%dma_wait3A_261 : memref<589824x32xf32, #tpu.memory_space<hbm>>)
      %dma_wait3A_262 = arith.constant 0 : i32
      %dma_wait3A_263 = arith.constant 5 : i32
      %dma_wait3A_264 = arith.constant 0 : i32
      %dma_wait3A_265 = arith.constant 0 : i32
      %dma_wait3A_266 = tpu.memref_slice %arg8[%dma_wait3A_262, %dma_wait3A_264, %dma_wait3A_265] : memref<2x1024x32xf32, #tpu.memory_space<vmem>> -> memref<1x1024x32xf32, #tpu.memory_space<vmem>>
      %dma_wait3A_267 = tpu.memref_squeeze %dma_wait3A_266 : memref<1x1024x32xf32, #tpu.memory_space<vmem>> -> memref<1024x32xf32, #tpu.memory_space<vmem>>
      %dma_wait3A_268 = arith.constant 640 : i32
      %dma_wait3A_269 = arith.constant 0 : i32
      %dma_wait3A_270 = tpu.memref_slice %dma_wait3A_267[%dma_wait3A_268, %dma_wait3A_269] : memref<1024x32xf32, #tpu.memory_space<vmem>> -> memref<128x32xf32, #tpu.memory_space<vmem>>
      %dma_wait3A_271 = arith.constant 0 : i32
      %dma_wait3A_272 = tpu.memref_slice %arg7[%dma_wait3A_263, %dma_wait3A_271] : memref<144x128xi32, #tpu.memory_space<vmem>> -> memref<1x128xi32, #tpu.memory_space<vmem>>
      %dma_wait3A_273 = tpu.memref_squeeze %dma_wait3A_272 : memref<1x128xi32, #tpu.memory_space<vmem>> -> memref<128xi32, #tpu.memory_space<vmem>>
      %dma_wait3A_274 = arith.constant 0 : i32
      %dma_wait3A_275 = arith.constant 0 : i32
      %dma_wait3A_276 = tpu.memref_slice %arg5[%dma_wait3A_274, %dma_wait3A_275] : memref<589824x32xf32, #tpu.memory_space<hbm>> -> memref<589824x32xf32, #tpu.memory_space<hbm>>
      tpu.wait_indirect_dma semaphore(%arg10 : memref<!tpu.dma_semaphore, #tpu.memory_space<semaphore_mem>>) src(%dma_wait3A_270 : memref<128x32xf32, #tpu.memory_space<vmem>>) dst(%dma_wait3A_276 : memref<589824x32xf32, #tpu.memory_space<hbm>>)
      %dma_wait3A_277 = arith.constant 0 : i32
      %dma_wait3A_278 = arith.constant 6 : i32
      %dma_wait3A_279 = arith.constant 0 : i32
      %dma_wait3A_280 = arith.constant 0 : i32
      %dma_wait3A_281 = tpu.memref_slice %arg8[%dma_wait3A_277, %dma_wait3A_279, %dma_wait3A_280] : memref<2x1024x32xf32, #tpu.memory_space<vmem>> -> memref<1x1024x32xf32, #tpu.memory_space<vmem>>
      %dma_wait3A_282 = tpu.memref_squeeze %dma_wait3A_281 : memref<1x1024x32xf32, #tpu.memory_space<vmem>> -> memref<1024x32xf32, #tpu.memory_space<vmem>>
      %dma_wait3A_283 = arith.constant 768 : i32
      %dma_wait3A_284 = arith.constant 0 : i32
      %dma_wait3A_285 = tpu.memref_slice %dma_wait3A_282[%dma_wait3A_283, %dma_wait3A_284] : memref<1024x32xf32, #tpu.memory_space<vmem>> -> memref<128x32xf32, #tpu.memory_space<vmem>>
      %dma_wait3A_286 = arith.constant 0 : i32
      %dma_wait3A_287 = tpu.memref_slice %arg7[%dma_wait3A_278, %dma_wait3A_286] : memref<144x128xi32, #tpu.memory_space<vmem>> -> memref<1x128xi32, #tpu.memory_space<vmem>>
      %dma_wait3A_288 = tpu.memref_squeeze %dma_wait3A_287 : memref<1x128xi32, #tpu.memory_space<vmem>> -> memref<128xi32, #tpu.memory_space<vmem>>
      %dma_wait3A_289 = arith.constant 0 : i32
      %dma_wait3A_290 = arith.constant 0 : i32
      %dma_wait3A_291 = tpu.memref_slice %arg5[%dma_wait3A_289, %dma_wait3A_290] : memref<589824x32xf32, #tpu.memory_space<hbm>> -> memref<589824x32xf32, #tpu.memory_space<hbm>>
      tpu.wait_indirect_dma semaphore(%arg10 : memref<!tpu.dma_semaphore, #tpu.memory_space<semaphore_mem>>) src(%dma_wait3A_285 : memref<128x32xf32, #tpu.memory_space<vmem>>) dst(%dma_wait3A_291 : memref<589824x32xf32, #tpu.memory_space<hbm>>)
      %dma_wait3A_292 = arith.constant 0 : i32
      %dma_wait3A_293 = arith.constant 7 : i32
      %dma_wait3A_294 = arith.constant 0 : i32
      %dma_wait3A_295 = arith.constant 0 : i32
      %dma_wait3A_296 = tpu.memref_slice %arg8[%dma_wait3A_292, %dma_wait3A_294, %dma_wait3A_295] : memref<2x1024x32xf32, #tpu.memory_space<vmem>> -> memref<1x1024x32xf32, #tpu.memory_space<vmem>>
      %dma_wait3A_297 = tpu.memref_squeeze %dma_wait3A_296 : memref<1x1024x32xf32, #tpu.memory_space<vmem>> -> memref<1024x32xf32, #tpu.memory_space<vmem>>
      %dma_wait3A_298 = arith.constant 896 : i32
      %dma_wait3A_299 = arith.constant 0 : i32
      %dma_wait3A_300 = tpu.memref_slice %dma_wait3A_297[%dma_wait3A_298, %dma_wait3A_299] : memref<1024x32xf32, #tpu.memory_space<vmem>> -> memref<128x32xf32, #tpu.memory_space<vmem>>
      %dma_wait3A_301 = arith.constant 0 : i32
      %dma_wait3A_302 = tpu.memref_slice %arg7[%dma_wait3A_293, %dma_wait3A_301] : memref<144x128xi32, #tpu.memory_space<vmem>> -> memref<1x128xi32, #tpu.memory_space<vmem>>
      %dma_wait3A_303 = tpu.memref_squeeze %dma_wait3A_302 : memref<1x128xi32, #tpu.memory_space<vmem>> -> memref<128xi32, #tpu.memory_space<vmem>>
      %dma_wait3A_304 = arith.constant 0 : i32
      %dma_wait3A_305 = arith.constant 0 : i32
      %dma_wait3A_306 = tpu.memref_slice %arg5[%dma_wait3A_304, %dma_wait3A_305] : memref<589824x32xf32, #tpu.memory_space<hbm>> -> memref<589824x32xf32, #tpu.memory_space<hbm>>
      tpu.wait_indirect_dma semaphore(%arg10 : memref<!tpu.dma_semaphore, #tpu.memory_space<semaphore_mem>>) src(%dma_wait3A_300 : memref<128x32xf32, #tpu.memory_space<vmem>>) dst(%dma_wait3A_306 : memref<589824x32xf32, #tpu.memory_space<hbm>>)
      %add3A_307 = arith.constant 2 : i32
      %add3A_308 = arith.addi %add3A_33, %add3A_307 : i32
      %lt3A = arith.constant 18 : i32
      %lt3A_309 = arith.cmpi slt, %add3A_308, %lt3A : i32
      %convert_element_type3A = arith.extui %lt3A_309 : i1 to i32
      %cond3A = arith.constant 0 : i32
      %cond3A_310 = arith.cmpi ne, %convert_element_type3A, %cond3A : i32
      scf.if %cond3A_310 {
        %add3A_595 = arith.constant 2 : i32
        %add3A_596 = arith.addi %add3A_33, %add3A_595 : i32
        %mul3A_597 = arith.constant 1024 : i32
        %mul3A_598 = arith.muli %add3A_596, %mul3A_597 : i32
        %dma_start3A_599 = arith.constant 0 : i32
        %dma_start3A_600 = arith.constant 0 : i32
        %dma_start3A_601 = arith.constant 0 : i32
        %dma_start3A_602 = tpu.memref_slice %arg8[%dma_start3A_599, %dma_start3A_600, %dma_start3A_601] : memref<2x1024x32xf32, #tpu.memory_space<vmem>> -> memref<1x1024x32xf32, #tpu.memory_space<vmem>>
        %dma_start3A_603 = tpu.memref_squeeze %dma_start3A_602 : memref<1x1024x32xf32, #tpu.memory_space<vmem>> -> memref<1024x32xf32, #tpu.memory_space<vmem>>
        %dma_start3A_604 = tpu.memref_slice %arg6[%mul3A_598] : memref<18432xi32, #tpu.memory_space<vmem>> -> memref<1024xi32, #tpu.memory_space<vmem>>
        %dma_start3A_605 = arith.constant 0 : i32
        %dma_start3A_606 = arith.constant 0 : i32
        %dma_start3A_607 = tpu.memref_slice %arg3[%dma_start3A_605, %dma_start3A_606] : memref<1015808x32xf32, #tpu.memory_space<hbm>> -> memref<1015808x32xf32, #tpu.memory_space<hbm>>
        tpu.enqueue_indirect_dma source(%dma_start3A_607 : memref<1015808x32xf32, #tpu.memory_space<hbm>>) target(%dma_start3A_603 : memref<1024x32xf32, #tpu.memory_space<vmem>>) offsets(%dma_start3A_604 : memref<1024xi32, #tpu.memory_space<vmem>>) semaphore(%arg9 : memref<!tpu.dma_semaphore, #tpu.memory_space<semaphore_mem>>)
      } else {
      }
      %add3A_311 = arith.constant 1 : i32
      %add3A_312 = arith.addi %mul3A_31, %add3A_311 : i32
      %dma_wait3A_313 = arith.constant 1 : i32
      %dma_wait3A_314 = arith.constant 0 : i32
      %dma_wait3A_315 = arith.constant 0 : i32
      %dma_wait3A_316 = tpu.memref_slice %arg8[%dma_wait3A_313, %dma_wait3A_314, %dma_wait3A_315] : memref<2x1024x32xf32, #tpu.memory_space<vmem>> -> memref<1x1024x32xf32, #tpu.memory_space<vmem>>
      %dma_wait3A_317 = tpu.memref_squeeze %dma_wait3A_316 : memref<1x1024x32xf32, #tpu.memory_space<vmem>> -> memref<1024x32xf32, #tpu.memory_space<vmem>>
      %dma_wait3A_318 = arith.constant 0 : i32
      %dma_wait3A_319 = tpu.memref_slice %arg6[%dma_wait3A_318] : memref<18432xi32, #tpu.memory_space<vmem>> -> memref<1024xi32, #tpu.memory_space<vmem>>
      %dma_wait3A_320 = arith.constant 0 : i32
      %dma_wait3A_321 = arith.constant 0 : i32
      %dma_wait3A_322 = tpu.memref_slice %arg3[%dma_wait3A_320, %dma_wait3A_321] : memref<1015808x32xf32, #tpu.memory_space<hbm>> -> memref<1015808x32xf32, #tpu.memory_space<hbm>>
      tpu.wait_indirect_dma semaphore(%arg9 : memref<!tpu.dma_semaphore, #tpu.memory_space<semaphore_mem>>) src(%dma_wait3A_322 : memref<1015808x32xf32, #tpu.memory_space<hbm>>) dst(%dma_wait3A_317 : memref<1024x32xf32, #tpu.memory_space<vmem>>)
      %mul3A_323 = arith.constant 8 : i32
      %mul3A_324 = arith.muli %add3A_312, %mul3A_323 : i32
      %add3A_325 = arith.constant 0 : i32
      %add3A_326 = arith.addi %mul3A_324, %add3A_325 : i32
      %dma_start3A_327 = arith.constant 1 : i32
      %dma_start3A_328 = arith.constant 0 : i32
      %dma_start3A_329 = arith.constant 0 : i32
      %dma_start3A_330 = tpu.memref_slice %arg8[%dma_start3A_327, %dma_start3A_328, %dma_start3A_329] : memref<2x1024x32xf32, #tpu.memory_space<vmem>> -> memref<1x1024x32xf32, #tpu.memory_space<vmem>>
      %dma_start3A_331 = tpu.memref_squeeze %dma_start3A_330 : memref<1x1024x32xf32, #tpu.memory_space<vmem>> -> memref<1024x32xf32, #tpu.memory_space<vmem>>
      %dma_start3A_332 = arith.constant 0 : i32
      %dma_start3A_333 = arith.constant 0 : i32
      %dma_start3A_334 = tpu.memref_slice %dma_start3A_331[%dma_start3A_332, %dma_start3A_333] : memref<1024x32xf32, #tpu.memory_space<vmem>> -> memref<128x32xf32, #tpu.memory_space<vmem>>
      %dma_start3A_335 = arith.constant 0 : i32
      %dma_start3A_336 = tpu.memref_slice %arg7[%add3A_326, %dma_start3A_335] : memref<144x128xi32, #tpu.memory_space<vmem>> -> memref<1x128xi32, #tpu.memory_space<vmem>>
      %dma_start3A_337 = tpu.memref_squeeze %dma_start3A_336 : memref<1x128xi32, #tpu.memory_space<vmem>> -> memref<128xi32, #tpu.memory_space<vmem>>
      %dma_start3A_338 = arith.constant 0 : i32
      %dma_start3A_339 = arith.constant 0 : i32
      %dma_start3A_340 = tpu.memref_slice %arg5[%dma_start3A_338, %dma_start3A_339] : memref<589824x32xf32, #tpu.memory_space<hbm>> -> memref<589824x32xf32, #tpu.memory_space<hbm>>
      tpu.enqueue_indirect_dma source(%dma_start3A_334 : memref<128x32xf32, #tpu.memory_space<vmem>>) target(%dma_start3A_340 : memref<589824x32xf32, #tpu.memory_space<hbm>>) offsets(%dma_start3A_337 : memref<128xi32, #tpu.memory_space<vmem>>) semaphore(%arg10 : memref<!tpu.dma_semaphore, #tpu.memory_space<semaphore_mem>>)
      %mul3A_341 = arith.constant 8 : i32
      %mul3A_342 = arith.muli %add3A_312, %mul3A_341 : i32
      %add3A_343 = arith.constant 1 : i32
      %add3A_344 = arith.addi %mul3A_342, %add3A_343 : i32
      %dma_start3A_345 = arith.constant 1 : i32
      %dma_start3A_346 = arith.constant 0 : i32
      %dma_start3A_347 = arith.constant 0 : i32
      %dma_start3A_348 = tpu.memref_slice %arg8[%dma_start3A_345, %dma_start3A_346, %dma_start3A_347] : memref<2x1024x32xf32, #tpu.memory_space<vmem>> -> memref<1x1024x32xf32, #tpu.memory_space<vmem>>
      %dma_start3A_349 = tpu.memref_squeeze %dma_start3A_348 : memref<1x1024x32xf32, #tpu.memory_space<vmem>> -> memref<1024x32xf32, #tpu.memory_space<vmem>>
      %dma_start3A_350 = arith.constant 128 : i32
      %dma_start3A_351 = arith.constant 0 : i32
      %dma_start3A_352 = tpu.memref_slice %dma_start3A_349[%dma_start3A_350, %dma_start3A_351] : memref<1024x32xf32, #tpu.memory_space<vmem>> -> memref<128x32xf32, #tpu.memory_space<vmem>>
      %dma_start3A_353 = arith.constant 0 : i32
      %dma_start3A_354 = tpu.memref_slice %arg7[%add3A_344, %dma_start3A_353] : memref<144x128xi32, #tpu.memory_space<vmem>> -> memref<1x128xi32, #tpu.memory_space<vmem>>
      %dma_start3A_355 = tpu.memref_squeeze %dma_start3A_354 : memref<1x128xi32, #tpu.memory_space<vmem>> -> memref<128xi32, #tpu.memory_space<vmem>>
      %dma_start3A_356 = arith.constant 0 : i32
      %dma_start3A_357 = arith.constant 0 : i32
      %dma_start3A_358 = tpu.memref_slice %arg5[%dma_start3A_356, %dma_start3A_357] : memref<589824x32xf32, #tpu.memory_space<hbm>> -> memref<589824x32xf32, #tpu.memory_space<hbm>>
      tpu.enqueue_indirect_dma source(%dma_start3A_352 : memref<128x32xf32, #tpu.memory_space<vmem>>) target(%dma_start3A_358 : memref<589824x32xf32, #tpu.memory_space<hbm>>) offsets(%dma_start3A_355 : memref<128xi32, #tpu.memory_space<vmem>>) semaphore(%arg10 : memref<!tpu.dma_semaphore, #tpu.memory_space<semaphore_mem>>)
      %mul3A_359 = arith.constant 8 : i32
      %mul3A_360 = arith.muli %add3A_312, %mul3A_359 : i32
      %add3A_361 = arith.constant 2 : i32
      %add3A_362 = arith.addi %mul3A_360, %add3A_361 : i32
      %dma_start3A_363 = arith.constant 1 : i32
      %dma_start3A_364 = arith.constant 0 : i32
      %dma_start3A_365 = arith.constant 0 : i32
      %dma_start3A_366 = tpu.memref_slice %arg8[%dma_start3A_363, %dma_start3A_364, %dma_start3A_365] : memref<2x1024x32xf32, #tpu.memory_space<vmem>> -> memref<1x1024x32xf32, #tpu.memory_space<vmem>>
      %dma_start3A_367 = tpu.memref_squeeze %dma_start3A_366 : memref<1x1024x32xf32, #tpu.memory_space<vmem>> -> memref<1024x32xf32, #tpu.memory_space<vmem>>
      %dma_start3A_368 = arith.constant 256 : i32
      %dma_start3A_369 = arith.constant 0 : i32
      %dma_start3A_370 = tpu.memref_slice %dma_start3A_367[%dma_start3A_368, %dma_start3A_369] : memref<1024x32xf32, #tpu.memory_space<vmem>> -> memref<128x32xf32, #tpu.memory_space<vmem>>
      %dma_start3A_371 = arith.constant 0 : i32
      %dma_start3A_372 = tpu.memref_slice %arg7[%add3A_362, %dma_start3A_371] : memref<144x128xi32, #tpu.memory_space<vmem>> -> memref<1x128xi32, #tpu.memory_space<vmem>>
      %dma_start3A_373 = tpu.memref_squeeze %dma_start3A_372 : memref<1x128xi32, #tpu.memory_space<vmem>> -> memref<128xi32, #tpu.memory_space<vmem>>
      %dma_start3A_374 = arith.constant 0 : i32
      %dma_start3A_375 = arith.constant 0 : i32
      %dma_start3A_376 = tpu.memref_slice %arg5[%dma_start3A_374, %dma_start3A_375] : memref<589824x32xf32, #tpu.memory_space<hbm>> -> memref<589824x32xf32, #tpu.memory_space<hbm>>
      tpu.enqueue_indirect_dma source(%dma_start3A_370 : memref<128x32xf32, #tpu.memory_space<vmem>>) target(%dma_start3A_376 : memref<589824x32xf32, #tpu.memory_space<hbm>>) offsets(%dma_start3A_373 : memref<128xi32, #tpu.memory_space<vmem>>) semaphore(%arg10 : memref<!tpu.dma_semaphore, #tpu.memory_space<semaphore_mem>>)
      %mul3A_377 = arith.constant 8 : i32
      %mul3A_378 = arith.muli %add3A_312, %mul3A_377 : i32
      %add3A_379 = arith.constant 3 : i32
      %add3A_380 = arith.addi %mul3A_378, %add3A_379 : i32
      %dma_start3A_381 = arith.constant 1 : i32
      %dma_start3A_382 = arith.constant 0 : i32
      %dma_start3A_383 = arith.constant 0 : i32
      %dma_start3A_384 = tpu.memref_slice %arg8[%dma_start3A_381, %dma_start3A_382, %dma_start3A_383] : memref<2x1024x32xf32, #tpu.memory_space<vmem>> -> memref<1x1024x32xf32, #tpu.memory_space<vmem>>
      %dma_start3A_385 = tpu.memref_squeeze %dma_start3A_384 : memref<1x1024x32xf32, #tpu.memory_space<vmem>> -> memref<1024x32xf32, #tpu.memory_space<vmem>>
      %dma_start3A_386 = arith.constant 384 : i32
      %dma_start3A_387 = arith.constant 0 : i32
      %dma_start3A_388 = tpu.memref_slice %dma_start3A_385[%dma_start3A_386, %dma_start3A_387] : memref<1024x32xf32, #tpu.memory_space<vmem>> -> memref<128x32xf32, #tpu.memory_space<vmem>>
      %dma_start3A_389 = arith.constant 0 : i32
      %dma_start3A_390 = tpu.memref_slice %arg7[%add3A_380, %dma_start3A_389] : memref<144x128xi32, #tpu.memory_space<vmem>> -> memref<1x128xi32, #tpu.memory_space<vmem>>
      %dma_start3A_391 = tpu.memref_squeeze %dma_start3A_390 : memref<1x128xi32, #tpu.memory_space<vmem>> -> memref<128xi32, #tpu.memory_space<vmem>>
      %dma_start3A_392 = arith.constant 0 : i32
      %dma_start3A_393 = arith.constant 0 : i32
      %dma_start3A_394 = tpu.memref_slice %arg5[%dma_start3A_392, %dma_start3A_393] : memref<589824x32xf32, #tpu.memory_space<hbm>> -> memref<589824x32xf32, #tpu.memory_space<hbm>>
      tpu.enqueue_indirect_dma source(%dma_start3A_388 : memref<128x32xf32, #tpu.memory_space<vmem>>) target(%dma_start3A_394 : memref<589824x32xf32, #tpu.memory_space<hbm>>) offsets(%dma_start3A_391 : memref<128xi32, #tpu.memory_space<vmem>>) semaphore(%arg10 : memref<!tpu.dma_semaphore, #tpu.memory_space<semaphore_mem>>)
      %mul3A_395 = arith.constant 8 : i32
      %mul3A_396 = arith.muli %add3A_312, %mul3A_395 : i32
      %add3A_397 = arith.constant 4 : i32
      %add3A_398 = arith.addi %mul3A_396, %add3A_397 : i32
      %dma_start3A_399 = arith.constant 1 : i32
      %dma_start3A_400 = arith.constant 0 : i32
      %dma_start3A_401 = arith.constant 0 : i32
      %dma_start3A_402 = tpu.memref_slice %arg8[%dma_start3A_399, %dma_start3A_400, %dma_start3A_401] : memref<2x1024x32xf32, #tpu.memory_space<vmem>> -> memref<1x1024x32xf32, #tpu.memory_space<vmem>>
      %dma_start3A_403 = tpu.memref_squeeze %dma_start3A_402 : memref<1x1024x32xf32, #tpu.memory_space<vmem>> -> memref<1024x32xf32, #tpu.memory_space<vmem>>
      %dma_start3A_404 = arith.constant 512 : i32
      %dma_start3A_405 = arith.constant 0 : i32
      %dma_start3A_406 = tpu.memref_slice %dma_start3A_403[%dma_start3A_404, %dma_start3A_405] : memref<1024x32xf32, #tpu.memory_space<vmem>> -> memref<128x32xf32, #tpu.memory_space<vmem>>
      %dma_start3A_407 = arith.constant 0 : i32
      %dma_start3A_408 = tpu.memref_slice %arg7[%add3A_398, %dma_start3A_407] : memref<144x128xi32, #tpu.memory_space<vmem>> -> memref<1x128xi32, #tpu.memory_space<vmem>>
      %dma_start3A_409 = tpu.memref_squeeze %dma_start3A_408 : memref<1x128xi32, #tpu.memory_space<vmem>> -> memref<128xi32, #tpu.memory_space<vmem>>
      %dma_start3A_410 = arith.constant 0 : i32
      %dma_start3A_411 = arith.constant 0 : i32
      %dma_start3A_412 = tpu.memref_slice %arg5[%dma_start3A_410, %dma_start3A_411] : memref<589824x32xf32, #tpu.memory_space<hbm>> -> memref<589824x32xf32, #tpu.memory_space<hbm>>
      tpu.enqueue_indirect_dma source(%dma_start3A_406 : memref<128x32xf32, #tpu.memory_space<vmem>>) target(%dma_start3A_412 : memref<589824x32xf32, #tpu.memory_space<hbm>>) offsets(%dma_start3A_409 : memref<128xi32, #tpu.memory_space<vmem>>) semaphore(%arg10 : memref<!tpu.dma_semaphore, #tpu.memory_space<semaphore_mem>>)
      %mul3A_413 = arith.constant 8 : i32
      %mul3A_414 = arith.muli %add3A_312, %mul3A_413 : i32
      %add3A_415 = arith.constant 5 : i32
      %add3A_416 = arith.addi %mul3A_414, %add3A_415 : i32
      %dma_start3A_417 = arith.constant 1 : i32
      %dma_start3A_418 = arith.constant 0 : i32
      %dma_start3A_419 = arith.constant 0 : i32
      %dma_start3A_420 = tpu.memref_slice %arg8[%dma_start3A_417, %dma_start3A_418, %dma_start3A_419] : memref<2x1024x32xf32, #tpu.memory_space<vmem>> -> memref<1x1024x32xf32, #tpu.memory_space<vmem>>
      %dma_start3A_421 = tpu.memref_squeeze %dma_start3A_420 : memref<1x1024x32xf32, #tpu.memory_space<vmem>> -> memref<1024x32xf32, #tpu.memory_space<vmem>>
      %dma_start3A_422 = arith.constant 640 : i32
      %dma_start3A_423 = arith.constant 0 : i32
      %dma_start3A_424 = tpu.memref_slice %dma_start3A_421[%dma_start3A_422, %dma_start3A_423] : memref<1024x32xf32, #tpu.memory_space<vmem>> -> memref<128x32xf32, #tpu.memory_space<vmem>>
      %dma_start3A_425 = arith.constant 0 : i32
      %dma_start3A_426 = tpu.memref_slice %arg7[%add3A_416, %dma_start3A_425] : memref<144x128xi32, #tpu.memory_space<vmem>> -> memref<1x128xi32, #tpu.memory_space<vmem>>
      %dma_start3A_427 = tpu.memref_squeeze %dma_start3A_426 : memref<1x128xi32, #tpu.memory_space<vmem>> -> memref<128xi32, #tpu.memory_space<vmem>>
      %dma_start3A_428 = arith.constant 0 : i32
      %dma_start3A_429 = arith.constant 0 : i32
      %dma_start3A_430 = tpu.memref_slice %arg5[%dma_start3A_428, %dma_start3A_429] : memref<589824x32xf32, #tpu.memory_space<hbm>> -> memref<589824x32xf32, #tpu.memory_space<hbm>>
      tpu.enqueue_indirect_dma source(%dma_start3A_424 : memref<128x32xf32, #tpu.memory_space<vmem>>) target(%dma_start3A_430 : memref<589824x32xf32, #tpu.memory_space<hbm>>) offsets(%dma_start3A_427 : memref<128xi32, #tpu.memory_space<vmem>>) semaphore(%arg10 : memref<!tpu.dma_semaphore, #tpu.memory_space<semaphore_mem>>)
      %mul3A_431 = arith.constant 8 : i32
      %mul3A_432 = arith.muli %add3A_312, %mul3A_431 : i32
      %add3A_433 = arith.constant 6 : i32
      %add3A_434 = arith.addi %mul3A_432, %add3A_433 : i32
      %dma_start3A_435 = arith.constant 1 : i32
      %dma_start3A_436 = arith.constant 0 : i32
      %dma_start3A_437 = arith.constant 0 : i32
      %dma_start3A_438 = tpu.memref_slice %arg8[%dma_start3A_435, %dma_start3A_436, %dma_start3A_437] : memref<2x1024x32xf32, #tpu.memory_space<vmem>> -> memref<1x1024x32xf32, #tpu.memory_space<vmem>>
      %dma_start3A_439 = tpu.memref_squeeze %dma_start3A_438 : memref<1x1024x32xf32, #tpu.memory_space<vmem>> -> memref<1024x32xf32, #tpu.memory_space<vmem>>
      %dma_start3A_440 = arith.constant 768 : i32
      %dma_start3A_441 = arith.constant 0 : i32
      %dma_start3A_442 = tpu.memref_slice %dma_start3A_439[%dma_start3A_440, %dma_start3A_441] : memref<1024x32xf32, #tpu.memory_space<vmem>> -> memref<128x32xf32, #tpu.memory_space<vmem>>
      %dma_start3A_443 = arith.constant 0 : i32
      %dma_start3A_444 = tpu.memref_slice %arg7[%add3A_434, %dma_start3A_443] : memref<144x128xi32, #tpu.memory_space<vmem>> -> memref<1x128xi32, #tpu.memory_space<vmem>>
      %dma_start3A_445 = tpu.memref_squeeze %dma_start3A_444 : memref<1x128xi32, #tpu.memory_space<vmem>> -> memref<128xi32, #tpu.memory_space<vmem>>
      %dma_start3A_446 = arith.constant 0 : i32
      %dma_start3A_447 = arith.constant 0 : i32
      %dma_start3A_448 = tpu.memref_slice %arg5[%dma_start3A_446, %dma_start3A_447] : memref<589824x32xf32, #tpu.memory_space<hbm>> -> memref<589824x32xf32, #tpu.memory_space<hbm>>
      tpu.enqueue_indirect_dma source(%dma_start3A_442 : memref<128x32xf32, #tpu.memory_space<vmem>>) target(%dma_start3A_448 : memref<589824x32xf32, #tpu.memory_space<hbm>>) offsets(%dma_start3A_445 : memref<128xi32, #tpu.memory_space<vmem>>) semaphore(%arg10 : memref<!tpu.dma_semaphore, #tpu.memory_space<semaphore_mem>>)
      %mul3A_449 = arith.constant 8 : i32
      %mul3A_450 = arith.muli %add3A_312, %mul3A_449 : i32
      %add3A_451 = arith.constant 7 : i32
      %add3A_452 = arith.addi %mul3A_450, %add3A_451 : i32
      %dma_start3A_453 = arith.constant 1 : i32
      %dma_start3A_454 = arith.constant 0 : i32
      %dma_start3A_455 = arith.constant 0 : i32
      %dma_start3A_456 = tpu.memref_slice %arg8[%dma_start3A_453, %dma_start3A_454, %dma_start3A_455] : memref<2x1024x32xf32, #tpu.memory_space<vmem>> -> memref<1x1024x32xf32, #tpu.memory_space<vmem>>
      %dma_start3A_457 = tpu.memref_squeeze %dma_start3A_456 : memref<1x1024x32xf32, #tpu.memory_space<vmem>> -> memref<1024x32xf32, #tpu.memory_space<vmem>>
      %dma_start3A_458 = arith.constant 896 : i32
      %dma_start3A_459 = arith.constant 0 : i32
      %dma_start3A_460 = tpu.memref_slice %dma_start3A_457[%dma_start3A_458, %dma_start3A_459] : memref<1024x32xf32, #tpu.memory_space<vmem>> -> memref<128x32xf32, #tpu.memory_space<vmem>>
      %dma_start3A_461 = arith.constant 0 : i32
      %dma_start3A_462 = tpu.memref_slice %arg7[%add3A_452, %dma_start3A_461] : memref<144x128xi32, #tpu.memory_space<vmem>> -> memref<1x128xi32, #tpu.memory_space<vmem>>
      %dma_start3A_463 = tpu.memref_squeeze %dma_start3A_462 : memref<1x128xi32, #tpu.memory_space<vmem>> -> memref<128xi32, #tpu.memory_space<vmem>>
      %dma_start3A_464 = arith.constant 0 : i32
      %dma_start3A_465 = arith.constant 0 : i32
      %dma_start3A_466 = tpu.memref_slice %arg5[%dma_start3A_464, %dma_start3A_465] : memref<589824x32xf32, #tpu.memory_space<hbm>> -> memref<589824x32xf32, #tpu.memory_space<hbm>>
      tpu.enqueue_indirect_dma source(%dma_start3A_460 : memref<128x32xf32, #tpu.memory_space<vmem>>) target(%dma_start3A_466 : memref<589824x32xf32, #tpu.memory_space<hbm>>) offsets(%dma_start3A_463 : memref<128xi32, #tpu.memory_space<vmem>>) semaphore(%arg10 : memref<!tpu.dma_semaphore, #tpu.memory_space<semaphore_mem>>)
      %dma_wait3A_467 = arith.constant 1 : i32
      %dma_wait3A_468 = arith.constant 0 : i32
      %dma_wait3A_469 = arith.constant 0 : i32
      %dma_wait3A_470 = arith.constant 0 : i32
      %dma_wait3A_471 = tpu.memref_slice %arg8[%dma_wait3A_467, %dma_wait3A_469, %dma_wait3A_470] : memref<2x1024x32xf32, #tpu.memory_space<vmem>> -> memref<1x1024x32xf32, #tpu.memory_space<vmem>>
      %dma_wait3A_472 = tpu.memref_squeeze %dma_wait3A_471 : memref<1x1024x32xf32, #tpu.memory_space<vmem>> -> memref<1024x32xf32, #tpu.memory_space<vmem>>
      %dma_wait3A_473 = arith.constant 0 : i32
      %dma_wait3A_474 = arith.constant 0 : i32
      %dma_wait3A_475 = tpu.memref_slice %dma_wait3A_472[%dma_wait3A_473, %dma_wait3A_474] : memref<1024x32xf32, #tpu.memory_space<vmem>> -> memref<128x32xf32, #tpu.memory_space<vmem>>
      %dma_wait3A_476 = arith.constant 0 : i32
      %dma_wait3A_477 = tpu.memref_slice %arg7[%dma_wait3A_468, %dma_wait3A_476] : memref<144x128xi32, #tpu.memory_space<vmem>> -> memref<1x128xi32, #tpu.memory_space<vmem>>
      %dma_wait3A_478 = tpu.memref_squeeze %dma_wait3A_477 : memref<1x128xi32, #tpu.memory_space<vmem>> -> memref<128xi32, #tpu.memory_space<vmem>>
      %dma_wait3A_479 = arith.constant 0 : i32
      %dma_wait3A_480 = arith.constant 0 : i32
      %dma_wait3A_481 = tpu.memref_slice %arg5[%dma_wait3A_479, %dma_wait3A_480] : memref<589824x32xf32, #tpu.memory_space<hbm>> -> memref<589824x32xf32, #tpu.memory_space<hbm>>
      tpu.wait_indirect_dma semaphore(%arg10 : memref<!tpu.dma_semaphore, #tpu.memory_space<semaphore_mem>>) src(%dma_wait3A_475 : memref<128x32xf32, #tpu.memory_space<vmem>>) dst(%dma_wait3A_481 : memref<589824x32xf32, #tpu.memory_space<hbm>>)
      %dma_wait3A_482 = arith.constant 1 : i32
      %dma_wait3A_483 = arith.constant 1 : i32
      %dma_wait3A_484 = arith.constant 0 : i32
      %dma_wait3A_485 = arith.constant 0 : i32
      %dma_wait3A_486 = tpu.memref_slice %arg8[%dma_wait3A_482, %dma_wait3A_484, %dma_wait3A_485] : memref<2x1024x32xf32, #tpu.memory_space<vmem>> -> memref<1x1024x32xf32, #tpu.memory_space<vmem>>
      %dma_wait3A_487 = tpu.memref_squeeze %dma_wait3A_486 : memref<1x1024x32xf32, #tpu.memory_space<vmem>> -> memref<1024x32xf32, #tpu.memory_space<vmem>>
      %dma_wait3A_488 = arith.constant 128 : i32
      %dma_wait3A_489 = arith.constant 0 : i32
      %dma_wait3A_490 = tpu.memref_slice %dma_wait3A_487[%dma_wait3A_488, %dma_wait3A_489] : memref<1024x32xf32, #tpu.memory_space<vmem>> -> memref<128x32xf32, #tpu.memory_space<vmem>>
      %dma_wait3A_491 = arith.constant 0 : i32
      %dma_wait3A_492 = tpu.memref_slice %arg7[%dma_wait3A_483, %dma_wait3A_491] : memref<144x128xi32, #tpu.memory_space<vmem>> -> memref<1x128xi32, #tpu.memory_space<vmem>>
      %dma_wait3A_493 = tpu.memref_squeeze %dma_wait3A_492 : memref<1x128xi32, #tpu.memory_space<vmem>> -> memref<128xi32, #tpu.memory_space<vmem>>
      %dma_wait3A_494 = arith.constant 0 : i32
      %dma_wait3A_495 = arith.constant 0 : i32
      %dma_wait3A_496 = tpu.memref_slice %arg5[%dma_wait3A_494, %dma_wait3A_495] : memref<589824x32xf32, #tpu.memory_space<hbm>> -> memref<589824x32xf32, #tpu.memory_space<hbm>>
      tpu.wait_indirect_dma semaphore(%arg10 : memref<!tpu.dma_semaphore, #tpu.memory_space<semaphore_mem>>) src(%dma_wait3A_490 : memref<128x32xf32, #tpu.memory_space<vmem>>) dst(%dma_wait3A_496 : memref<589824x32xf32, #tpu.memory_space<hbm>>)
      %dma_wait3A_497 = arith.constant 1 : i32
      %dma_wait3A_498 = arith.constant 2 : i32
      %dma_wait3A_499 = arith.constant 0 : i32
      %dma_wait3A_500 = arith.constant 0 : i32
      %dma_wait3A_501 = tpu.memref_slice %arg8[%dma_wait3A_497, %dma_wait3A_499, %dma_wait3A_500] : memref<2x1024x32xf32, #tpu.memory_space<vmem>> -> memref<1x1024x32xf32, #tpu.memory_space<vmem>>
      %dma_wait3A_502 = tpu.memref_squeeze %dma_wait3A_501 : memref<1x1024x32xf32, #tpu.memory_space<vmem>> -> memref<1024x32xf32, #tpu.memory_space<vmem>>
      %dma_wait3A_503 = arith.constant 256 : i32
      %dma_wait3A_504 = arith.constant 0 : i32
      %dma_wait3A_505 = tpu.memref_slice %dma_wait3A_502[%dma_wait3A_503, %dma_wait3A_504] : memref<1024x32xf32, #tpu.memory_space<vmem>> -> memref<128x32xf32, #tpu.memory_space<vmem>>
      %dma_wait3A_506 = arith.constant 0 : i32
      %dma_wait3A_507 = tpu.memref_slice %arg7[%dma_wait3A_498, %dma_wait3A_506] : memref<144x128xi32, #tpu.memory_space<vmem>> -> memref<1x128xi32, #tpu.memory_space<vmem>>
      %dma_wait3A_508 = tpu.memref_squeeze %dma_wait3A_507 : memref<1x128xi32, #tpu.memory_space<vmem>> -> memref<128xi32, #tpu.memory_space<vmem>>
      %dma_wait3A_509 = arith.constant 0 : i32
      %dma_wait3A_510 = arith.constant 0 : i32
      %dma_wait3A_511 = tpu.memref_slice %arg5[%dma_wait3A_509, %dma_wait3A_510] : memref<589824x32xf32, #tpu.memory_space<hbm>> -> memref<589824x32xf32, #tpu.memory_space<hbm>>
      tpu.wait_indirect_dma semaphore(%arg10 : memref<!tpu.dma_semaphore, #tpu.memory_space<semaphore_mem>>) src(%dma_wait3A_505 : memref<128x32xf32, #tpu.memory_space<vmem>>) dst(%dma_wait3A_511 : memref<589824x32xf32, #tpu.memory_space<hbm>>)
      %dma_wait3A_512 = arith.constant 1 : i32
      %dma_wait3A_513 = arith.constant 3 : i32
      %dma_wait3A_514 = arith.constant 0 : i32
      %dma_wait3A_515 = arith.constant 0 : i32
      %dma_wait3A_516 = tpu.memref_slice %arg8[%dma_wait3A_512, %dma_wait3A_514, %dma_wait3A_515] : memref<2x1024x32xf32, #tpu.memory_space<vmem>> -> memref<1x1024x32xf32, #tpu.memory_space<vmem>>
      %dma_wait3A_517 = tpu.memref_squeeze %dma_wait3A_516 : memref<1x1024x32xf32, #tpu.memory_space<vmem>> -> memref<1024x32xf32, #tpu.memory_space<vmem>>
      %dma_wait3A_518 = arith.constant 384 : i32
      %dma_wait3A_519 = arith.constant 0 : i32
      %dma_wait3A_520 = tpu.memref_slice %dma_wait3A_517[%dma_wait3A_518, %dma_wait3A_519] : memref<1024x32xf32, #tpu.memory_space<vmem>> -> memref<128x32xf32, #tpu.memory_space<vmem>>
      %dma_wait3A_521 = arith.constant 0 : i32
      %dma_wait3A_522 = tpu.memref_slice %arg7[%dma_wait3A_513, %dma_wait3A_521] : memref<144x128xi32, #tpu.memory_space<vmem>> -> memref<1x128xi32, #tpu.memory_space<vmem>>
      %dma_wait3A_523 = tpu.memref_squeeze %dma_wait3A_522 : memref<1x128xi32, #tpu.memory_space<vmem>> -> memref<128xi32, #tpu.memory_space<vmem>>
      %dma_wait3A_524 = arith.constant 0 : i32
      %dma_wait3A_525 = arith.constant 0 : i32
      %dma_wait3A_526 = tpu.memref_slice %arg5[%dma_wait3A_524, %dma_wait3A_525] : memref<589824x32xf32, #tpu.memory_space<hbm>> -> memref<589824x32xf32, #tpu.memory_space<hbm>>
      tpu.wait_indirect_dma semaphore(%arg10 : memref<!tpu.dma_semaphore, #tpu.memory_space<semaphore_mem>>) src(%dma_wait3A_520 : memref<128x32xf32, #tpu.memory_space<vmem>>) dst(%dma_wait3A_526 : memref<589824x32xf32, #tpu.memory_space<hbm>>)
      %dma_wait3A_527 = arith.constant 1 : i32
      %dma_wait3A_528 = arith.constant 4 : i32
      %dma_wait3A_529 = arith.constant 0 : i32
      %dma_wait3A_530 = arith.constant 0 : i32
      %dma_wait3A_531 = tpu.memref_slice %arg8[%dma_wait3A_527, %dma_wait3A_529, %dma_wait3A_530] : memref<2x1024x32xf32, #tpu.memory_space<vmem>> -> memref<1x1024x32xf32, #tpu.memory_space<vmem>>
      %dma_wait3A_532 = tpu.memref_squeeze %dma_wait3A_531 : memref<1x1024x32xf32, #tpu.memory_space<vmem>> -> memref<1024x32xf32, #tpu.memory_space<vmem>>
      %dma_wait3A_533 = arith.constant 512 : i32
      %dma_wait3A_534 = arith.constant 0 : i32
      %dma_wait3A_535 = tpu.memref_slice %dma_wait3A_532[%dma_wait3A_533, %dma_wait3A_534] : memref<1024x32xf32, #tpu.memory_space<vmem>> -> memref<128x32xf32, #tpu.memory_space<vmem>>
      %dma_wait3A_536 = arith.constant 0 : i32
      %dma_wait3A_537 = tpu.memref_slice %arg7[%dma_wait3A_528, %dma_wait3A_536] : memref<144x128xi32, #tpu.memory_space<vmem>> -> memref<1x128xi32, #tpu.memory_space<vmem>>
      %dma_wait3A_538 = tpu.memref_squeeze %dma_wait3A_537 : memref<1x128xi32, #tpu.memory_space<vmem>> -> memref<128xi32, #tpu.memory_space<vmem>>
      %dma_wait3A_539 = arith.constant 0 : i32
      %dma_wait3A_540 = arith.constant 0 : i32
      %dma_wait3A_541 = tpu.memref_slice %arg5[%dma_wait3A_539, %dma_wait3A_540] : memref<589824x32xf32, #tpu.memory_space<hbm>> -> memref<589824x32xf32, #tpu.memory_space<hbm>>
      tpu.wait_indirect_dma semaphore(%arg10 : memref<!tpu.dma_semaphore, #tpu.memory_space<semaphore_mem>>) src(%dma_wait3A_535 : memref<128x32xf32, #tpu.memory_space<vmem>>) dst(%dma_wait3A_541 : memref<589824x32xf32, #tpu.memory_space<hbm>>)
      %dma_wait3A_542 = arith.constant 1 : i32
      %dma_wait3A_543 = arith.constant 5 : i32
      %dma_wait3A_544 = arith.constant 0 : i32
      %dma_wait3A_545 = arith.constant 0 : i32
      %dma_wait3A_546 = tpu.memref_slice %arg8[%dma_wait3A_542, %dma_wait3A_544, %dma_wait3A_545] : memref<2x1024x32xf32, #tpu.memory_space<vmem>> -> memref<1x1024x32xf32, #tpu.memory_space<vmem>>
      %dma_wait3A_547 = tpu.memref_squeeze %dma_wait3A_546 : memref<1x1024x32xf32, #tpu.memory_space<vmem>> -> memref<1024x32xf32, #tpu.memory_space<vmem>>
      %dma_wait3A_548 = arith.constant 640 : i32
      %dma_wait3A_549 = arith.constant 0 : i32
      %dma_wait3A_550 = tpu.memref_slice %dma_wait3A_547[%dma_wait3A_548, %dma_wait3A_549] : memref<1024x32xf32, #tpu.memory_space<vmem>> -> memref<128x32xf32, #tpu.memory_space<vmem>>
      %dma_wait3A_551 = arith.constant 0 : i32
      %dma_wait3A_552 = tpu.memref_slice %arg7[%dma_wait3A_543, %dma_wait3A_551] : memref<144x128xi32, #tpu.memory_space<vmem>> -> memref<1x128xi32, #tpu.memory_space<vmem>>
      %dma_wait3A_553 = tpu.memref_squeeze %dma_wait3A_552 : memref<1x128xi32, #tpu.memory_space<vmem>> -> memref<128xi32, #tpu.memory_space<vmem>>
      %dma_wait3A_554 = arith.constant 0 : i32
      %dma_wait3A_555 = arith.constant 0 : i32
      %dma_wait3A_556 = tpu.memref_slice %arg5[%dma_wait3A_554, %dma_wait3A_555] : memref<589824x32xf32, #tpu.memory_space<hbm>> -> memref<589824x32xf32, #tpu.memory_space<hbm>>
      tpu.wait_indirect_dma semaphore(%arg10 : memref<!tpu.dma_semaphore, #tpu.memory_space<semaphore_mem>>) src(%dma_wait3A_550 : memref<128x32xf32, #tpu.memory_space<vmem>>) dst(%dma_wait3A_556 : memref<589824x32xf32, #tpu.memory_space<hbm>>)
      %dma_wait3A_557 = arith.constant 1 : i32
      %dma_wait3A_558 = arith.constant 6 : i32
      %dma_wait3A_559 = arith.constant 0 : i32
      %dma_wait3A_560 = arith.constant 0 : i32
      %dma_wait3A_561 = tpu.memref_slice %arg8[%dma_wait3A_557, %dma_wait3A_559, %dma_wait3A_560] : memref<2x1024x32xf32, #tpu.memory_space<vmem>> -> memref<1x1024x32xf32, #tpu.memory_space<vmem>>
      %dma_wait3A_562 = tpu.memref_squeeze %dma_wait3A_561 : memref<1x1024x32xf32, #tpu.memory_space<vmem>> -> memref<1024x32xf32, #tpu.memory_space<vmem>>
      %dma_wait3A_563 = arith.constant 768 : i32
      %dma_wait3A_564 = arith.constant 0 : i32
      %dma_wait3A_565 = tpu.memref_slice %dma_wait3A_562[%dma_wait3A_563, %dma_wait3A_564] : memref<1024x32xf32, #tpu.memory_space<vmem>> -> memref<128x32xf32, #tpu.memory_space<vmem>>
      %dma_wait3A_566 = arith.constant 0 : i32
      %dma_wait3A_567 = tpu.memref_slice %arg7[%dma_wait3A_558, %dma_wait3A_566] : memref<144x128xi32, #tpu.memory_space<vmem>> -> memref<1x128xi32, #tpu.memory_space<vmem>>
      %dma_wait3A_568 = tpu.memref_squeeze %dma_wait3A_567 : memref<1x128xi32, #tpu.memory_space<vmem>> -> memref<128xi32, #tpu.memory_space<vmem>>
      %dma_wait3A_569 = arith.constant 0 : i32
      %dma_wait3A_570 = arith.constant 0 : i32
      %dma_wait3A_571 = tpu.memref_slice %arg5[%dma_wait3A_569, %dma_wait3A_570] : memref<589824x32xf32, #tpu.memory_space<hbm>> -> memref<589824x32xf32, #tpu.memory_space<hbm>>
      tpu.wait_indirect_dma semaphore(%arg10 : memref<!tpu.dma_semaphore, #tpu.memory_space<semaphore_mem>>) src(%dma_wait3A_565 : memref<128x32xf32, #tpu.memory_space<vmem>>) dst(%dma_wait3A_571 : memref<589824x32xf32, #tpu.memory_space<hbm>>)
      %dma_wait3A_572 = arith.constant 1 : i32
      %dma_wait3A_573 = arith.constant 7 : i32
      %dma_wait3A_574 = arith.constant 0 : i32
      %dma_wait3A_575 = arith.constant 0 : i32
      %dma_wait3A_576 = tpu.memref_slice %arg8[%dma_wait3A_572, %dma_wait3A_574, %dma_wait3A_575] : memref<2x1024x32xf32, #tpu.memory_space<vmem>> -> memref<1x1024x32xf32, #tpu.memory_space<vmem>>
      %dma_wait3A_577 = tpu.memref_squeeze %dma_wait3A_576 : memref<1x1024x32xf32, #tpu.memory_space<vmem>> -> memref<1024x32xf32, #tpu.memory_space<vmem>>
      %dma_wait3A_578 = arith.constant 896 : i32
      %dma_wait3A_579 = arith.constant 0 : i32
      %dma_wait3A_580 = tpu.memref_slice %dma_wait3A_577[%dma_wait3A_578, %dma_wait3A_579] : memref<1024x32xf32, #tpu.memory_space<vmem>> -> memref<128x32xf32, #tpu.memory_space<vmem>>
      %dma_wait3A_581 = arith.constant 0 : i32
      %dma_wait3A_582 = tpu.memref_slice %arg7[%dma_wait3A_573, %dma_wait3A_581] : memref<144x128xi32, #tpu.memory_space<vmem>> -> memref<1x128xi32, #tpu.memory_space<vmem>>
      %dma_wait3A_583 = tpu.memref_squeeze %dma_wait3A_582 : memref<1x128xi32, #tpu.memory_space<vmem>> -> memref<128xi32, #tpu.memory_space<vmem>>
      %dma_wait3A_584 = arith.constant 0 : i32
      %dma_wait3A_585 = arith.constant 0 : i32
      %dma_wait3A_586 = tpu.memref_slice %arg5[%dma_wait3A_584, %dma_wait3A_585] : memref<589824x32xf32, #tpu.memory_space<hbm>> -> memref<589824x32xf32, #tpu.memory_space<hbm>>
      tpu.wait_indirect_dma semaphore(%arg10 : memref<!tpu.dma_semaphore, #tpu.memory_space<semaphore_mem>>) src(%dma_wait3A_580 : memref<128x32xf32, #tpu.memory_space<vmem>>) dst(%dma_wait3A_586 : memref<589824x32xf32, #tpu.memory_space<hbm>>)
      %add3A_587 = arith.constant 2 : i32
      %add3A_588 = arith.addi %add3A_312, %add3A_587 : i32
      %lt3A_589 = arith.constant 18 : i32
      %lt3A_590 = arith.cmpi slt, %add3A_588, %lt3A_589 : i32
      %convert_element_type3A_591 = arith.extui %lt3A_590 : i1 to i32
      %cond3A_592 = arith.constant 0 : i32
      %cond3A_593 = arith.cmpi ne, %convert_element_type3A_591, %cond3A_592 : i32
      scf.if %cond3A_593 {
        %add3A_595 = arith.constant 2 : i32
        %add3A_596 = arith.addi %add3A_312, %add3A_595 : i32
        %mul3A_597 = arith.constant 1024 : i32
        %mul3A_598 = arith.muli %add3A_596, %mul3A_597 : i32
        %dma_start3A_599 = arith.constant 1 : i32
        %dma_start3A_600 = arith.constant 0 : i32
        %dma_start3A_601 = arith.constant 0 : i32
        %dma_start3A_602 = tpu.memref_slice %arg8[%dma_start3A_599, %dma_start3A_600, %dma_start3A_601] : memref<2x1024x32xf32, #tpu.memory_space<vmem>> -> memref<1x1024x32xf32, #tpu.memory_space<vmem>>
        %dma_start3A_603 = tpu.memref_squeeze %dma_start3A_602 : memref<1x1024x32xf32, #tpu.memory_space<vmem>> -> memref<1024x32xf32, #tpu.memory_space<vmem>>
        %dma_start3A_604 = tpu.memref_slice %arg6[%mul3A_598] : memref<18432xi32, #tpu.memory_space<vmem>> -> memref<1024xi32, #tpu.memory_space<vmem>>
        %dma_start3A_605 = arith.constant 0 : i32
        %dma_start3A_606 = arith.constant 0 : i32
        %dma_start3A_607 = tpu.memref_slice %arg3[%dma_start3A_605, %dma_start3A_606] : memref<1015808x32xf32, #tpu.memory_space<hbm>> -> memref<1015808x32xf32, #tpu.memory_space<hbm>>
        tpu.enqueue_indirect_dma source(%dma_start3A_607 : memref<1015808x32xf32, #tpu.memory_space<hbm>>) target(%dma_start3A_603 : memref<1024x32xf32, #tpu.memory_space<vmem>>) offsets(%dma_start3A_604 : memref<1024xi32, #tpu.memory_space<vmem>>) semaphore(%arg9 : memref<!tpu.dma_semaphore, #tpu.memory_space<semaphore_mem>>)
      } else {
      }
      %scan3A_594 = arith.constant 0 : i32
      scf.yield %scan3A_594 : i32
    }
    %scan3A_27 = arith.constant 9 : i32
    return
  }
}

module attributes {stable_mosaic.version = 14 : i64} {
  func.func @_tr_body(%arg0: i32, %arg1: memref<32x16384xf32, #tpu.memory_space<vmem>>, %arg2: memref<4096x128xf32, #tpu.memory_space<vmem>>) attributes {dimension_semantics = [#tpu.dimension_semantics<arbitrary>], iteration_bounds = array<i64: 62>, scalar_prefetch = 0 : i64, scratch_operands = 0 : i64, tpu.core_type = #tpu.core_type<tc>, window_params = [{transform_indices = @transform_0, window_bounds = array<i64: 32, 16384>}, {transform_indices = @transform_1, window_bounds = array<i64: 4096, 128>}]} {
    %get3A = arith.constant 0 : index
    %get3A_0 = arith.constant 0 : index
    %get3A_1 = vector.load %arg1[%get3A, %get3A_0] : memref<32x16384xf32, #tpu.memory_space<vmem>>, vector<32x16384xf32>
    %transpose3A = tpu.transpose %get3A_1, [1, 0] : vector<32x16384xf32> -> vector<16384x32xf32>
    %slice3A = vector.extract_strided_slice %transpose3A {offsets = [0, 0], sizes = [4096, 32], strides = [1, 1]} : vector<16384x32xf32> to vector<4096x32xf32>
    %slice3A_2 = vector.extract_strided_slice %transpose3A {offsets = [4096, 0], sizes = [4096, 32], strides = [1, 1]} : vector<16384x32xf32> to vector<4096x32xf32>
    %slice3A_3 = vector.extract_strided_slice %transpose3A {offsets = [8192, 0], sizes = [4096, 32], strides = [1, 1]} : vector<16384x32xf32> to vector<4096x32xf32>
    %slice3A_4 = vector.extract_strided_slice %transpose3A {offsets = [12288, 0], sizes = [4096, 32], strides = [1, 1]} : vector<16384x32xf32> to vector<4096x32xf32>
    %concatenate3A = tpu.concatenate %slice3A, %slice3A_2, %slice3A_3, %slice3A_4 in 1 : vector<4096x32xf32>, vector<4096x32xf32>, vector<4096x32xf32>, vector<4096x32xf32> -> vector<4096x128xf32>
    %swap3A = arith.constant 0 : index
    %swap3A_5 = arith.constant 0 : index
    %swap3A_6 = vector.load %arg2[%swap3A, %swap3A_5] : memref<4096x128xf32, #tpu.memory_space<vmem>>, vector<4096x128xf32>
    tpu.vector_store %arg2[%swap3A, %swap3A_5], %concatenate3A {strides = array<i32>} : memref<4096x128xf32, #tpu.memory_space<vmem>>, vector<4096x128xf32>,
    return
  }
  func.func @transform_0(%arg0: i32) -> (i32, i32) {
    %c0_i32 = arith.constant 0 : i32
    %c0_i32_0 = arith.constant 0 : i32
    return %c0_i32, %arg0 : i32, i32
  }
  func.func @transform_1(%arg0: i32) -> (i32, i32) {
    %c0_i32 = arith.constant 0 : i32
    %c0_i32_0 = arith.constant 0 : i32
    return %arg0, %c0_i32 : i32, i32
  }
}

module attributes {stable_mosaic.version = 14 : i64} {
  func.func @_mlp_body(%arg0: i32, %arg1: memref<128x9x8x128xf32, #tpu.memory_space<vmem>>, %arg2: memref<9x128x200xf32, #tpu.memory_space<vmem>>, %arg3: memref<1x200xf32, #tpu.memory_space<vmem>>, %arg4: memref<200x3xf32, #tpu.memory_space<vmem>>, %arg5: memref<1x3xf32, #tpu.memory_space<vmem>>, %arg6: memref<1024x3xf32, #tpu.memory_space<vmem>>) attributes {dimension_semantics = [#tpu.dimension_semantics<arbitrary>], iteration_bounds = array<i64: 16>, scalar_prefetch = 0 : i64, scratch_operands = 0 : i64, tpu.core_type = #tpu.core_type<tc>, window_params = [{transform_indices = @transform_0, window_bounds = array<i64: 128, 9, 8, 128>}, {pipeline_mode = #tpu.pipeline_mode<synchronous>, transform_indices = @transform_1, window_bounds = array<i64: 9, 128, 200>}, {pipeline_mode = #tpu.pipeline_mode<synchronous>, transform_indices = @transform_2, window_bounds = array<i64: 1, 200>}, {pipeline_mode = #tpu.pipeline_mode<synchronous>, transform_indices = @transform_3, window_bounds = array<i64: 200, 3>}, {pipeline_mode = #tpu.pipeline_mode<synchronous>, transform_indices = @transform_4, window_bounds = array<i64: 1, 3>}, {transform_indices = @transform_5, window_bounds = array<i64: 1024, 3>}]} {
    %broadcast_in_dim3A = arith.constant 0.000000e+00 : f32
    %broadcast_in_dim3A_0 = vector.broadcast %broadcast_in_dim3A : f32 to vector<1024x200xf32>
    %get3A = arith.constant 0 : index
    %get3A_1 = arith.constant 0 : index
    %get3A_2 = arith.constant 0 : index
    %get3A_3 = arith.constant 0 : index
    %get3A_4 = vector.load %arg1[%get3A, %get3A_1, %get3A_2, %get3A_3] : memref<128x9x8x128xf32, #tpu.memory_space<vmem>>, vector<128x1x8x128xf32>
    %get3A_5 = vector.shape_cast %get3A_4 : vector<128x1x8x128xf32> to vector<128x8x128xf32>
    %reshape3A = vector.shape_cast %get3A_5 : vector<128x8x128xf32> to vector<1024x128xf32>
    %get3A_6 = arith.constant 0 : index
    %get3A_7 = arith.constant 0 : index
    %get3A_8 = arith.constant 0 : index
    %get3A_9 = vector.load %arg2[%get3A_6, %get3A_7, %get3A_8] : memref<9x128x200xf32, #tpu.memory_space<vmem>>, vector<1x128x200xf32>
    %get3A_10 = vector.shape_cast %get3A_9 : vector<1x128x200xf32> to vector<128x200xf32>
    %dot_general3A = arith.constant dense<0.000000e+00> : vector<1024x200xf32>
    %dot_general3A_11 = tpu.matmul %reshape3A, %get3A_10, %dot_general3A {dimension_numbers = #tpu.dot_dimension_numbers<[1], [0], [0], [1], [0, 0, 1, 1], [], []>, transpose_lhs_hint = false} : vector<1024x128xf32>, vector<128x200xf32>, vector<1024x200xf32> -> vector<1024x200xf32>
    %add3A = arith.addf %broadcast_in_dim3A_0, %dot_general3A_11 : vector<1024x200xf32>
    %get3A_12 = arith.constant 0 : index
    %get3A_13 = arith.constant 1 : index
    %get3A_14 = arith.constant 0 : index
    %get3A_15 = arith.constant 0 : index
    %get3A_16 = vector.load %arg1[%get3A_12, %get3A_13, %get3A_14, %get3A_15] : memref<128x9x8x128xf32, #tpu.memory_space<vmem>>, vector<128x1x8x128xf32>
    %get3A_17 = vector.shape_cast %get3A_16 : vector<128x1x8x128xf32> to vector<128x8x128xf32>
    %reshape3A_18 = vector.shape_cast %get3A_17 : vector<128x8x128xf32> to vector<1024x128xf32>
    %get3A_19 = arith.constant 1 : index
    %get3A_20 = arith.constant 0 : index
    %get3A_21 = arith.constant 0 : index
    %get3A_22 = vector.load %arg2[%get3A_19, %get3A_20, %get3A_21] : memref<9x128x200xf32, #tpu.memory_space<vmem>>, vector<1x128x200xf32>
    %get3A_23 = vector.shape_cast %get3A_22 : vector<1x128x200xf32> to vector<128x200xf32>
    %dot_general3A_24 = arith.constant dense<0.000000e+00> : vector<1024x200xf32>
    %dot_general3A_25 = tpu.matmul %reshape3A_18, %get3A_23, %dot_general3A_24 {dimension_numbers = #tpu.dot_dimension_numbers<[1], [0], [0], [1], [0, 0, 1, 1], [], []>, transpose_lhs_hint = false} : vector<1024x128xf32>, vector<128x200xf32>, vector<1024x200xf32> -> vector<1024x200xf32>
    %add3A_26 = arith.addf %add3A, %dot_general3A_25 : vector<1024x200xf32>
    %get3A_27 = arith.constant 0 : index
    %get3A_28 = arith.constant 2 : index
    %get3A_29 = arith.constant 0 : index
    %get3A_30 = arith.constant 0 : index
    %get3A_31 = vector.load %arg1[%get3A_27, %get3A_28, %get3A_29, %get3A_30] : memref<128x9x8x128xf32, #tpu.memory_space<vmem>>, vector<128x1x8x128xf32>
    %get3A_32 = vector.shape_cast %get3A_31 : vector<128x1x8x128xf32> to vector<128x8x128xf32>
    %reshape3A_33 = vector.shape_cast %get3A_32 : vector<128x8x128xf32> to vector<1024x128xf32>
    %get3A_34 = arith.constant 2 : index
    %get3A_35 = arith.constant 0 : index
    %get3A_36 = arith.constant 0 : index
    %get3A_37 = vector.load %arg2[%get3A_34, %get3A_35, %get3A_36] : memref<9x128x200xf32, #tpu.memory_space<vmem>>, vector<1x128x200xf32>
    %get3A_38 = vector.shape_cast %get3A_37 : vector<1x128x200xf32> to vector<128x200xf32>
    %dot_general3A_39 = arith.constant dense<0.000000e+00> : vector<1024x200xf32>
    %dot_general3A_40 = tpu.matmul %reshape3A_33, %get3A_38, %dot_general3A_39 {dimension_numbers = #tpu.dot_dimension_numbers<[1], [0], [0], [1], [0, 0, 1, 1], [], []>, transpose_lhs_hint = false} : vector<1024x128xf32>, vector<128x200xf32>, vector<1024x200xf32> -> vector<1024x200xf32>
    %add3A_41 = arith.addf %add3A_26, %dot_general3A_40 : vector<1024x200xf32>
    %get3A_42 = arith.constant 0 : index
    %get3A_43 = arith.constant 3 : index
    %get3A_44 = arith.constant 0 : index
    %get3A_45 = arith.constant 0 : index
    %get3A_46 = vector.load %arg1[%get3A_42, %get3A_43, %get3A_44, %get3A_45] : memref<128x9x8x128xf32, #tpu.memory_space<vmem>>, vector<128x1x8x128xf32>
    %get3A_47 = vector.shape_cast %get3A_46 : vector<128x1x8x128xf32> to vector<128x8x128xf32>
    %reshape3A_48 = vector.shape_cast %get3A_47 : vector<128x8x128xf32> to vector<1024x128xf32>
    %get3A_49 = arith.constant 3 : index
    %get3A_50 = arith.constant 0 : index
    %get3A_51 = arith.constant 0 : index
    %get3A_52 = vector.load %arg2[%get3A_49, %get3A_50, %get3A_51] : memref<9x128x200xf32, #tpu.memory_space<vmem>>, vector<1x128x200xf32>
    %get3A_53 = vector.shape_cast %get3A_52 : vector<1x128x200xf32> to vector<128x200xf32>
    %dot_general3A_54 = arith.constant dense<0.000000e+00> : vector<1024x200xf32>
    %dot_general3A_55 = tpu.matmul %reshape3A_48, %get3A_53, %dot_general3A_54 {dimension_numbers = #tpu.dot_dimension_numbers<[1], [0], [0], [1], [0, 0, 1, 1], [], []>, transpose_lhs_hint = false} : vector<1024x128xf32>, vector<128x200xf32>, vector<1024x200xf32> -> vector<1024x200xf32>
    %add3A_56 = arith.addf %add3A_41, %dot_general3A_55 : vector<1024x200xf32>
    %get3A_57 = arith.constant 0 : index
    %get3A_58 = arith.constant 4 : index
    %get3A_59 = arith.constant 0 : index
    %get3A_60 = arith.constant 0 : index
    %get3A_61 = vector.load %arg1[%get3A_57, %get3A_58, %get3A_59, %get3A_60] : memref<128x9x8x128xf32, #tpu.memory_space<vmem>>, vector<128x1x8x128xf32>
    %get3A_62 = vector.shape_cast %get3A_61 : vector<128x1x8x128xf32> to vector<128x8x128xf32>
    %reshape3A_63 = vector.shape_cast %get3A_62 : vector<128x8x128xf32> to vector<1024x128xf32>
    %get3A_64 = arith.constant 4 : index
    %get3A_65 = arith.constant 0 : index
    %get3A_66 = arith.constant 0 : index
    %get3A_67 = vector.load %arg2[%get3A_64, %get3A_65, %get3A_66] : memref<9x128x200xf32, #tpu.memory_space<vmem>>, vector<1x128x200xf32>
    %get3A_68 = vector.shape_cast %get3A_67 : vector<1x128x200xf32> to vector<128x200xf32>
    %dot_general3A_69 = arith.constant dense<0.000000e+00> : vector<1024x200xf32>
    %dot_general3A_70 = tpu.matmul %reshape3A_63, %get3A_68, %dot_general3A_69 {dimension_numbers = #tpu.dot_dimension_numbers<[1], [0], [0], [1], [0, 0, 1, 1], [], []>, transpose_lhs_hint = false} : vector<1024x128xf32>, vector<128x200xf32>, vector<1024x200xf32> -> vector<1024x200xf32>
    %add3A_71 = arith.addf %add3A_56, %dot_general3A_70 : vector<1024x200xf32>
    %get3A_72 = arith.constant 0 : index
    %get3A_73 = arith.constant 5 : index
    %get3A_74 = arith.constant 0 : index
    %get3A_75 = arith.constant 0 : index
    %get3A_76 = vector.load %arg1[%get3A_72, %get3A_73, %get3A_74, %get3A_75] : memref<128x9x8x128xf32, #tpu.memory_space<vmem>>, vector<128x1x8x128xf32>
    %get3A_77 = vector.shape_cast %get3A_76 : vector<128x1x8x128xf32> to vector<128x8x128xf32>
    %reshape3A_78 = vector.shape_cast %get3A_77 : vector<128x8x128xf32> to vector<1024x128xf32>
    %get3A_79 = arith.constant 5 : index
    %get3A_80 = arith.constant 0 : index
    %get3A_81 = arith.constant 0 : index
    %get3A_82 = vector.load %arg2[%get3A_79, %get3A_80, %get3A_81] : memref<9x128x200xf32, #tpu.memory_space<vmem>>, vector<1x128x200xf32>
    %get3A_83 = vector.shape_cast %get3A_82 : vector<1x128x200xf32> to vector<128x200xf32>
    %dot_general3A_84 = arith.constant dense<0.000000e+00> : vector<1024x200xf32>
    %dot_general3A_85 = tpu.matmul %reshape3A_78, %get3A_83, %dot_general3A_84 {dimension_numbers = #tpu.dot_dimension_numbers<[1], [0], [0], [1], [0, 0, 1, 1], [], []>, transpose_lhs_hint = false} : vector<1024x128xf32>, vector<128x200xf32>, vector<1024x200xf32> -> vector<1024x200xf32>
    %add3A_86 = arith.addf %add3A_71, %dot_general3A_85 : vector<1024x200xf32>
    %get3A_87 = arith.constant 0 : index
    %get3A_88 = arith.constant 6 : index
    %get3A_89 = arith.constant 0 : index
    %get3A_90 = arith.constant 0 : index
    %get3A_91 = vector.load %arg1[%get3A_87, %get3A_88, %get3A_89, %get3A_90] : memref<128x9x8x128xf32, #tpu.memory_space<vmem>>, vector<128x1x8x128xf32>
    %get3A_92 = vector.shape_cast %get3A_91 : vector<128x1x8x128xf32> to vector<128x8x128xf32>
    %reshape3A_93 = vector.shape_cast %get3A_92 : vector<128x8x128xf32> to vector<1024x128xf32>
    %get3A_94 = arith.constant 6 : index
    %get3A_95 = arith.constant 0 : index
    %get3A_96 = arith.constant 0 : index
    %get3A_97 = vector.load %arg2[%get3A_94, %get3A_95, %get3A_96] : memref<9x128x200xf32, #tpu.memory_space<vmem>>, vector<1x128x200xf32>
    %get3A_98 = vector.shape_cast %get3A_97 : vector<1x128x200xf32> to vector<128x200xf32>
    %dot_general3A_99 = arith.constant dense<0.000000e+00> : vector<1024x200xf32>
    %dot_general3A_100 = tpu.matmul %reshape3A_93, %get3A_98, %dot_general3A_99 {dimension_numbers = #tpu.dot_dimension_numbers<[1], [0], [0], [1], [0, 0, 1, 1], [], []>, transpose_lhs_hint = false} : vector<1024x128xf32>, vector<128x200xf32>, vector<1024x200xf32> -> vector<1024x200xf32>
    %add3A_101 = arith.addf %add3A_86, %dot_general3A_100 : vector<1024x200xf32>
    %get3A_102 = arith.constant 0 : index
    %get3A_103 = arith.constant 7 : index
    %get3A_104 = arith.constant 0 : index
    %get3A_105 = arith.constant 0 : index
    %get3A_106 = vector.load %arg1[%get3A_102, %get3A_103, %get3A_104, %get3A_105] : memref<128x9x8x128xf32, #tpu.memory_space<vmem>>, vector<128x1x8x128xf32>
    %get3A_107 = vector.shape_cast %get3A_106 : vector<128x1x8x128xf32> to vector<128x8x128xf32>
    %reshape3A_108 = vector.shape_cast %get3A_107 : vector<128x8x128xf32> to vector<1024x128xf32>
    %get3A_109 = arith.constant 7 : index
    %get3A_110 = arith.constant 0 : index
    %get3A_111 = arith.constant 0 : index
    %get3A_112 = vector.load %arg2[%get3A_109, %get3A_110, %get3A_111] : memref<9x128x200xf32, #tpu.memory_space<vmem>>, vector<1x128x200xf32>
    %get3A_113 = vector.shape_cast %get3A_112 : vector<1x128x200xf32> to vector<128x200xf32>
    %dot_general3A_114 = arith.constant dense<0.000000e+00> : vector<1024x200xf32>
    %dot_general3A_115 = tpu.matmul %reshape3A_108, %get3A_113, %dot_general3A_114 {dimension_numbers = #tpu.dot_dimension_numbers<[1], [0], [0], [1], [0, 0, 1, 1], [], []>, transpose_lhs_hint = false} : vector<1024x128xf32>, vector<128x200xf32>, vector<1024x200xf32> -> vector<1024x200xf32>
    %add3A_116 = arith.addf %add3A_101, %dot_general3A_115 : vector<1024x200xf32>
    %get3A_117 = arith.constant 0 : index
    %get3A_118 = arith.constant 8 : index
    %get3A_119 = arith.constant 0 : index
    %get3A_120 = arith.constant 0 : index
    %get3A_121 = vector.load %arg1[%get3A_117, %get3A_118, %get3A_119, %get3A_120] : memref<128x9x8x128xf32, #tpu.memory_space<vmem>>, vector<128x1x8x128xf32>
    %get3A_122 = vector.shape_cast %get3A_121 : vector<128x1x8x128xf32> to vector<128x8x128xf32>
    %reshape3A_123 = vector.shape_cast %get3A_122 : vector<128x8x128xf32> to vector<1024x128xf32>
    %get3A_124 = arith.constant 8 : index
    %get3A_125 = arith.constant 0 : index
    %get3A_126 = arith.constant 0 : index
    %get3A_127 = vector.load %arg2[%get3A_124, %get3A_125, %get3A_126] : memref<9x128x200xf32, #tpu.memory_space<vmem>>, vector<1x128x200xf32>
    %get3A_128 = vector.shape_cast %get3A_127 : vector<1x128x200xf32> to vector<128x200xf32>
    %dot_general3A_129 = arith.constant dense<0.000000e+00> : vector<1024x200xf32>
    %dot_general3A_130 = tpu.matmul %reshape3A_123, %get3A_128, %dot_general3A_129 {dimension_numbers = #tpu.dot_dimension_numbers<[1], [0], [0], [1], [0, 0, 1, 1], [], []>, transpose_lhs_hint = false} : vector<1024x128xf32>, vector<128x200xf32>, vector<1024x200xf32> -> vector<1024x200xf32>
    %add3A_131 = arith.addf %add3A_116, %dot_general3A_130 : vector<1024x200xf32>
    %get3A_132 = arith.constant 0 : index
    %get3A_133 = arith.constant 0 : index
    %get3A_134 = vector.load %arg3[%get3A_132, %get3A_133] : memref<1x200xf32, #tpu.memory_space<vmem>>, vector<1x200xf32>
    %add3A_135 = vector.broadcast %get3A_134 : vector<1x200xf32> to vector<1024x200xf32>
    %add3A_136 = arith.addf %add3A_131, %add3A_135 : vector<1024x200xf32>
    %max3A = arith.constant 0.000000e+00 : f32
    %max3A_137 = vector.broadcast %max3A : f32 to vector<1024x200xf32>
    %max3A_138 = arith.maximumf %add3A_136, %max3A_137 : vector<1024x200xf32>
    %get3A_139 = arith.constant 0 : index
    %get3A_140 = arith.constant 0 : index
    %get3A_141 = vector.load %arg4[%get3A_139, %get3A_140] : memref<200x3xf32, #tpu.memory_space<vmem>>, vector<200x3xf32>
    %dot_general3A_142 = arith.constant dense<0.000000e+00> : vector<1024x3xf32>
    %dot_general3A_143 = tpu.matmul %max3A_138, %get3A_141, %dot_general3A_142 {dimension_numbers = #tpu.dot_dimension_numbers<[1], [0], [0], [1], [0, 0, 1, 1], [], []>, transpose_lhs_hint = false} : vector<1024x200xf32>, vector<200x3xf32>, vector<1024x3xf32> -> vector<1024x3xf32>
    %get3A_144 = arith.constant 0 : index
    %get3A_145 = arith.constant 0 : index
    %get3A_146 = vector.load %arg5[%get3A_144, %get3A_145] : memref<1x3xf32, #tpu.memory_space<vmem>>, vector<1x3xf32>
    %add3A_147 = vector.broadcast %get3A_146 : vector<1x3xf32> to vector<1024x3xf32>
    %add3A_148 = arith.addf %dot_general3A_143, %add3A_147 : vector<1024x3xf32>
    %swap3A = arith.constant 0 : index
    %swap3A_149 = arith.constant 0 : index
    %swap3A_150 = vector.load %arg6[%swap3A, %swap3A_149] : memref<1024x3xf32, #tpu.memory_space<vmem>>, vector<1024x3xf32>
    tpu.vector_store %arg6[%swap3A, %swap3A_149], %add3A_148 {strides = array<i32>} : memref<1024x3xf32, #tpu.memory_space<vmem>>, vector<1024x3xf32>,
    return
  }
  func.func @transform_0(%arg0: i32) -> (i32, i32, i32, i32) {
    %c0_i32 = arith.constant 0 : i32
    %c0_i32_0 = arith.constant 0 : i32
    %c0_i32_1 = arith.constant 0 : i32
    %c0_i32_2 = arith.constant 0 : i32
    return %arg0, %c0_i32, %c0_i32_0, %c0_i32_1 : i32, i32, i32, i32
  }
  func.func @transform_1(%arg0: i32) -> (i32, i32, i32) {
    %c0_i32 = arith.constant 0 : i32
    %c0_i32_0 = arith.constant 0 : i32
    %c0_i32_1 = arith.constant 0 : i32
    %c0_i32_2 = arith.constant 0 : i32
    return %c0_i32, %c0_i32_0, %c0_i32_1 : i32, i32, i32
  }
  func.func @transform_2(%arg0: i32) -> (i32, i32) {
    %c0_i32 = arith.constant 0 : i32
    %c0_i32_0 = arith.constant 0 : i32
    %c0_i32_1 = arith.constant 0 : i32
    return %c0_i32, %c0_i32_0 : i32, i32
  }
  func.func @transform_3(%arg0: i32) -> (i32, i32) {
    %c0_i32 = arith.constant 0 : i32
    %c0_i32_0 = arith.constant 0 : i32
    %c0_i32_1 = arith.constant 0 : i32
    return %c0_i32, %c0_i32_0 : i32, i32
  }
  func.func @transform_4(%arg0: i32) -> (i32, i32) {
    %c0_i32 = arith.constant 0 : i32
    %c0_i32_0 = arith.constant 0 : i32
    %c0_i32_1 = arith.constant 0 : i32
    return %c0_i32, %c0_i32_0 : i32, i32
  }
  func.func @transform_5(%arg0: i32) -> (i32, i32) {
    %c0_i32 = arith.constant 0 : i32
    %c0_i32_0 = arith.constant 0 : i32
    return %arg0, %c0_i32 : i32, i32
  }
}

</mosaic_0001>

<sc_bundles>
// kernel: kernel.5.cloned.1.call-start
scs
__scs_entry_jumppad:
0x0: {  	(pc) =	sbr.rel $0x88, $3  }
0x1: {  	(tag) =	ssettag $0x0;
	lr =	simm.s32 $0x1  }
0x2: {  	[smem:$0x3F9B] =	sst lr;
	_ =	strace $0xD0000000  }
0x3: {  	_ = 	snop  }
0x4: {  	_ = 	snop  }
0x5: {  	_ = 	snop  }
0x6: {  	_ = 	snop  }
0x7: {  	_ = 	snop  }
__scs_overlays_trampoline_lowered:
0x8: {  	[smem:$0x3FAA] =	sst s0  }
0x9: {  	[smem:$0x3FAB] =	sst s1  }
0xa: {  	[smem:$0x3FAC] =	sst s2  }
0xb: {  	[smem:$0x3FAD] =	sst s3  }
0xc: {  	[smem:$0x3FAE] =	sst s4  }
0xd: {  	[smem:$0x3FAF] =	sst s5  }
0xe: {  	[smem:$0x3FB0] =	sst s6  }
0xf: {  	[smem:$0x3FB1] =	sst s7  }
0x10: {  	[smem:$0x3FB2] =	sst s8  }
0x11: {  	[smem:$0x3FB3] =	sst s9;
	s0 =	simm.s32 @!p0 $0x0  }
0x12: {  	s1 =	sld [smem:$0x3F99];
	s0 =	simm.s32 @p0 $0x1  }
0x13: {  	[smem:$0x3FB4] =	sst s0;
	s0 =	simm.s32 @!p1 $0x0  }
0x14: {  	s2 =	sld [smem:$0x3F98];
	s0 =	simm.s32 @p1 $0x1  }
0x15: {  	[smem:$0x3FB5] =	sst s0;
	s0 =	simm.s32 @!p2 $0x0  }
0x16: {  	s3 =	sld [smem:$0x3FDB];
	s0 =	simm.s32 @p2 $0x1  }
0x17: {  	s4 =	simm.s32 $0x1BF5;
	[smem:$0x3FB7] =	sst s0  }
0x18: {  	s0 =	sld [smem:$0x3F9A];
	_ =	swait.ge [sflag:s4], $0x0  }
0x19: {  	s7 =	sld [smem:$0x3F9B]  }
0x1a: {  	s8 =	sadd.s32 $0xFFFFE003, lr  }
0x1b: {  	s9 =	sadd.s32 $0xFFFFFEF7, lr;
	s5 =	simm.s32 $0xFFFFFFFF;
	p2 =	slt.u32 s8, $0xFFFFF086  }
0x1c: {  	p1 =	slt.u32 s9, $0xF7A;
	s5 =	simm.s32 @!p2 $0x0  }
0x1d: {  	s5 =	simm.s32 @p1 $0x1;
	p0 =	seq.s32 s7, s2  }
0x1e: {  	s7 =	smul.u32 @!p0 $0xF7A, s2;
	p2 =	seq.s32 @!p0 s5, $0x0  }
0x1f: {  	s9 =	smul.u32 $0xF7A, s1;
	s8 =	simm.s32 @!p0 $0x1BF5;
	p2 =	por !p2, p0  }
0x20: {  	[sflag:s8] =	ssyncset.s32 @!p0 $0xFFFFF086;
	s6 =	sadd.s32 @!p0 s3, s7;
	s7 =	simm.s32 @!p0 $0x108  }
0x21: {  	s3 =	sadd.s32 s3, s9;
	s6 =	sadd.s32 @!p0 $0x88, s6;
	s7 =	simm.s32 @p2 $0x1082  }
0x22: {  	[simem:s7], [sflag:s8] =	dma.local @!p0 [hbm:s6], $0xF7A  }
0x23: {  	s9 =	sor.u32 $0xD0000000, s2;
	s6 =	simm.s32 $0x108;
	_ =	swait.ge @!p0 [sflag:s8], $0x0  }
0x24: {  	s3 =	sadd.s32 $0x88, s3;
	s6 =	simm.s32 @!p1 $0x1082;
	[sflag:s4] =	ssyncset.s32 $0xFFFFF086  }
0x25: {  	[simem:s6], [sflag:s4] =	dma.local [hbm:s3], $0xF7A  }
0x26: {  	[smem:$0x3F9B] =	sst s1;
	(tag) =	ssettag s2;
	_ =	strace s9  }
0x27: {  	s1 =	sld [smem:$0x3FAB]  }
0x28: {  	s2 =	sld [smem:$0x3FAC]  }
0x29: {  	s4 =	sld [smem:$0x3FAE]  }
0x2a: {  	p0 =	seq.s32 s5, $0x0;
	s5 =	sld [smem:$0x3FAF]  }
0x2b: {  	s6 =	sld [smem:$0x3FB0]  }
0x2c: {  	s7 =	sld [smem:$0x3FB1]  }
0x2d: {  	s3 =	simm.s32 $0x108;
	s8 =	sld [smem:$0x3FB2]  }
0x2e: {  	s3 =	simm.s32 @!p0 $0x1082;
	s9 =	sld [smem:$0x3FB3]  }
0x2f: {  	lr =	sadd.s32 s0, s3;
	s0 =	sld [smem:$0x3FAA]  }
0x30: {  	s3 =	sld [smem:$0x3FAD]  }
0x31: {  	[smem:$0x3FB6] =	sst s10  }
0x32: {  	s10 =	sld [smem:$0x3FB4];
	_ =	sdelay $0x3  }
0x33: {  	p0 =	seq.s32 s10, $0x1;
	s10 =	sld [smem:$0x3FB6];
	_ =	sdelay $0x3  }
0x34: {  	[smem:$0x3FB6] =	sst s10  }
0x35: {  	s10 =	sld [smem:$0x3FB5];
	_ =	sdelay $0x3  }
0x36: {  	p1 =	seq.s32 s10, $0x1;
	s10 =	sld [smem:$0x3FB6];
	_ =	sdelay $0x3  }
0x37: {  	[smem:$0x3FB6] =	sst s10  }
0x38: {  	s10 =	sld [smem:$0x3FB7]  }
0x39: {  	_ = 	snop;
	(pc) =	sbr.ind lr, $3  }
0x3a: {  	_ = 	snop  }
0x3b: {  	_ = 	snop  }
0x3c: {  	p2 =	seq.s32 s10, $0x1;
	s10 =	sld [smem:$0x3FB6]  }
0x3d: {  	_ =	shalt  }
0x3e: {  	_ =	shalt  }
0x3f: {  	_ =	shalt  }
0x40: {  	_ =	shalt  }
0x41: {  	_ =	shalt  }
0x42: {  	_ =	shalt  }
0x43: {  	_ =	shalt  }
0x44: {  	_ =	shalt  }
0x45: {  	_ =	shalt  }
0x46: {  	_ =	shalt  }
0x47: {  	_ =	shalt  }
0x48: {  	_ =	shalt  }
0x49: {  	_ =	shalt  }
0x4a: {  	_ =	shalt  }
0x4b: {  	_ =	shalt  }
0x4c: {  	_ =	shalt  }
0x4d: {  	_ =	shalt  }
0x4e: {  	_ =	shalt  }
0x4f: {  	_ =	shalt  }
0x50: {  	_ =	shalt  }
0x51: {  	_ =	shalt  }
0x52: {  	_ =	shalt  }
0x53: {  	_ =	shalt  }
0x54: {  	_ =	shalt  }
0x55: {  	_ =	shalt  }
0x56: {  	_ =	shalt  }
0x57: {  	_ =	shalt  }
0x58: {  	_ =	shalt  }
0x59: {  	_ =	shalt  }
0x5a: {  	_ =	shalt  }
0x5b: {  	_ =	shalt  }
0x5c: {  	_ =	shalt  }
0x5d: {  	_ =	shalt  }
0x5e: {  	_ =	shalt  }
0x5f: {  	_ =	shalt  }
0x60: {  	_ =	shalt  }
0x61: {  	_ =	shalt  }
0x62: {  	_ =	shalt  }
0x63: {  	_ =	shalt  }
0x64: {  	_ =	shalt  }
0x65: {  	_ =	shalt  }
0x66: {  	_ =	shalt  }
0x67: {  	_ =	shalt  }
0x68: {  	_ =	shalt  }
0x69: {  	_ =	shalt  }
0x6a: {  	_ =	shalt  }
0x6b: {  	_ =	shalt  }
0x6c: {  	_ =	shalt  }
0x6d: {  	_ =	shalt  }
0x6e: {  	_ =	shalt  }
0x6f: {  	_ =	shalt  }
0x70: {  	_ =	shalt  }
0x71: {  	_ =	shalt  }
0x72: {  	_ =	shalt  }
0x73: {  	_ =	shalt  }
0x74: {  	_ =	shalt  }
0x75: {  	_ =	shalt  }
0x76: {  	_ =	shalt  }
0x77: {  	_ =	shalt  }
0x78: {  	_ =	shalt  }
0x79: {  	_ =	shalt  }
0x7a: {  	_ =	shalt  }
0x7b: {  	_ =	shalt  }
0x7c: {  	_ =	shalt  }
0x7d: {  	_ =	shalt  }
0x7e: {  	_ =	shalt  }
0x7f: {  	_ =	shalt  }
0x80: {  	_ =	shalt  }
0x81: {  	_ =	shalt  }
0x82: {  	_ =	shalt  }
0x83: {  	_ =	shalt  }
0x84: {  	_ =	shalt  }
0x85: {  	_ =	shalt  }
0x86: {  	_ =	shalt  }
0x87: {  	_ =	shalt  }
.Lfunc_end0:
.L_simem_size_0:
called_computation_lowered:
.L_overlay_start_0:
0x88: {  	s2 =	sld [smem:$0x3FD9]  }
0x89: {  	s3 =	sld [smem:$0x3FFE];
	_ =	sdelay $0x1  }
0x8a: {  	s1 =	srdreg.scid  }
0x8b: {  	s0 =	sand.u32 $0x1, s1  }
0x8c: {  	s16 =	sshll.u32 s0, $0xA;
	s2 =	sadd.s32 s3, s2  }
0x8d: {  	s2 =	sadd.s32 s2, s16  }
0x8e: {  	[smem:$0x3FC2] =	sst s2  }
0x8f: {  	_ = 	snop  }
0x90: {  	(tm) =	ssettm $0x1  }
0x91: {  	s17 =	sld [smem:$0x3FFB];
	_ =	sdelay $0x3  }
0x92: {  	_ =	strace s17  }
0x93: {  	s2 =	sld [smem:$0x3FFC];
	_ =	sdelay $0x3  }
0x94: {  	_ =	strace s2  }
0x95: {  	s2 =	sld [smem:$0x3FFD];
	_ =	sdelay $0x3  }
0x96: {  	_ =	strace s2  }
0x97: {  	_ =	strace $0x8FFFFFFF  }
0x98: {  	s18 =	sld [smem:$0x3FDB];
	_ =	sdelay $0x1  }
0x99: {  	s19 =	simm.s32 $_scs_section_size  }
0x9a: {  	s4 =	simm.s32 $_size__tile_overlayer_lowered;
	s5 =	simm.s32 $_tile_overlayer_lowered  }
0x9b: {  	s22 =	simm.s32 $0x1BFF;
	s21 =	sshll.u32 s5, $0x1;
	s2 =	sadd.s32 s19, s18  }
0x9c: {  	s6 =	simm.s32 $0x0;
	s20 =	sshll.u32 s4, $0x1;
	s4 =	sadd.s32 s21, s2  }
0x9d: {  	[timem:s6], [sflag:s22] =	dma.local [hbm:s4], s20  }
0x9e: {  	_ =	swait.ge [sflag:s22], s20  }
0x9f: {  	s3 =	ssub.s32 $0x0, s20;
	[sflag:s22] =	ssyncset.done $0x0  }
0xa0: {  	[sflag:s22] =	ssyncadd.s32 s3;
	_ =	sdelay $0x1  }
0xa1: {  	s23 =	simm.s32 $0x1B8B  }
0xa2: {  	_ =	swait.ge [sflag:s23], $0x1  }
0xa3: {  	[sflag:s23] =	ssyncset.done $0x0  }
0xa4: {  	s25 =	simm.s32 $0x1B8E;
	s24 =	sld [smem:$0x3FFE];
	[sflag:s23] =	ssyncadd.s32 $0xFFFFFFFF  }
0xa5: {  	s26 =	simm.s32 $execute0_lowered;
	[smem:$0x3FD2] =	sst s25  }
0xa6: {  	s4 =	sshll.u32 s26, $0x1;
	_ =	strace $0x80000046;
	[dreg:$0x1] =	wrdreg $0xFFFFFFFF  }
0xa7: {  	s28 =	simm.s32 $_size_execute0_lowered;
	s2 =	sadd.s32 s2, s4;
	[dreg:$0x0] =	wrdreg $0x0  }
0xa8: {  	s4 =	sshll.u32 s28, $0x1;
	[dreg:$0x2] =	wrdreg s2  }
0xa9: {  	[dreg:$0x3] =	wrdreg s4  }
0xaa: {  	[dreg:$0x4] =	wrdreg $0xC0  }
0xab: {  	_ =	task [dreg:s6], $0x5FFFF  }
0xac: {  	[dreg:$0x1] =	wrdreg $0xFFFFFFFF  }
0xad: {  	[dreg:$0x0] =	wrdreg $0x60  }
0xae: {  	[dreg:$0x2] =	wrdreg s24  }
0xaf: {  	[dreg:$0x3] =	wrdreg $0x9  }
0xb0: {  	_ =	task.clear_ibuf [dreg:s6], $0x4FFFF;
	_ =	strace $0x90000046  }
0xb1: {  	s29 =	simm.s32 $0x9;
	_ =	strace $0x80000048  }
0xb2: {  	_ =	swait.ge [sflag:s29], $0x1  }
0xb3: {  	[sflag:s29] =	ssyncadd.s32 $0xFFFFFFFF  }
0xb4: {  	_ =	strace $0x90000048  }
0xb5: {  	_ =	sfence  }
0xb6: {  	s30 =	sld [smem:$0x0];
	_ =	sdelay $0x2  }
0xb7: {  	s31 =	sshll.u32 s1, $0xD;
	s1 =	sshrl.u32 s1, $0x2  }
0xb8: {  	s3 =	sand.u32 $0x4000, s31;
	s1 =	sadd.s32 s1, s30  }
0xb9: {  	s0 =	sor.u32 s3, s0;
	s1 =	sshll.u32 s1, $0x11  }
0xba: {  	s0 =	sor.u32 s1, s0  }
0xbb: {  	s0 =	sadd.s32 $0x8F2B, s0  }
0xbc: {  	[sflag:s0] =	ssyncadd.remote.s32 $0x1  }
0xbd: {  	_ =	sfence.sel $0xFFFF  }
0xbe: {  	[dreg:$0x0] =	wrdreg $0xFFFFFFFF;
	(pc) =	sbr.abs _section_cstart, $3  }
0xbf: {  	[dreg:$0x1] =	wrdreg $0xFFFFFFFF  }
0xc0: {  	_ =	task.clear_ibuf [dreg:s6], $0x2FFFF;
	_ =	strace $0x9FFFFFFF  }
0xc1: {  	(tm) =	ssettm $0x7FFFFFFF  }
tec
execute0_lowered:
.L_overlay_start_1:
0x0: {  	(tag) =	ssettag $0x1  }
0x1: {  	s0 =	srdreg.scid;
	s2 =	stileid.u32  }
0x2: {  	s1 =	rddreg [dreg:$0x0];
	s8 =	simm.s32 $0x3;
	s10 =	simm.s32 $0x400  }
0x3: {  	s11 =	simm.s32 $0x9000;
	s12 =	simm.s32 $0x11000;
	s13 =	simm.s32 $0x1  }
0x4: {  	s14 =	simm.s32 $0x80;
	s15 =	simm.s32 $0xA000;
	s16 =	simm.s32 $0xB000  }
0x5: {  	s17 =	simm.s32 $0xC000;
	s18 =	simm.s32 $0xD000;
	s19 =	simm.s32 $0xE000  }
0x6: {  	s20 =	simm.s32 $0xF000;
	s21 =	simm.s32 $0x10000;
	s22 =	simm.s32 $0x2  }
0x7: {  	s23 =	simm.s32 $0x12000;
	s28 =	simm.s32 $0x16000;
	s29 =	simm.s32 $0x17000  }
0x8: {  	s30 =	simm.s32 $0x18000;
	s0 =	sand.u32 $0x1, s0;
	s3 =	sshll.u32 s2, $0x1  }
0x9: {  	s31 =	simm.s32 $0x0;
	s2 =	simm.s32 $0x0;
	s3 =	sor.u32 s0, s3  }
0xa: {  	[smem:$0x7FF] =	sst s2;
	s0 =	ssub.s32 $0x2, s0;
	s4 =	smul.u32 $0x900, s3  }
.Ltmp0:
0xb: {  	_ =	strace $0x80000047;
	s24 =	sshrl.u32 s0, $0x1;
	(pc) =	sbr.rel .LBB2_1-.Ltmp0, $4  }
0xc: {  	s3 =	sadd.s32 $0x1000, s1;
	s0 =	ssub.s32 s0, s24;
	s6 =	sadd.s32 s4, s1  }
0xd: {  	s24 =	simm.s32 $0x13000;
	s4 =	sadd.s32 $0x405000, s1;
	s25 =	sadd.s32 $0x3E1000, s6  }
0xe: {  	s7 =	smax.u32 s0, $0x1;
	s26 =	sadd.s32 $0x3F3000, s6;
	[dreg:$0x2] =	wrdreg s25  }
0xf: {  	[dreg:$0x3] =	wrdreg s26;
	s25 =	simm.s32 $0x14000;
	s26 =	simm.s32 $0x15000  }
.LBB2_4:
0x10: {  	s31 =	sadd.s32 $0x1, s31  }
0x11: {  	p0 =	sne.s32 s31, s7  }
.Ltmp1:
0x12: {  	_ = 	snop;
	(pc) =	sbr.rel @!p0 .LBB2_5-.Ltmp1, $1  }
0x13: {  	_ =	sdelay $0x3  }
.LBB2_1:
0x14: {  	s0 =	rddreg [dreg:$0x2]  }
0x15: {  	[tilespmem:s2], [sflag:$0x3] =	stream.linear.gather [hbm4b:s0+s2], $0x4800, $0x38;
	[tilespmem:$0x19000] =	vst v63  }
0x16: {  	_ =	swait.ge [sflag:s8], $0x4800  }
0x17: {  	[sflag:s8] =	ssyncset.done $0x0  }
0x18: {  	s1 =	simm.s32 $0x4800;
	s9 =	rddreg [dreg:$0x3];
	[sflag:s8] =	ssyncadd.s32 $0xFFFFB800  }
0x19: {  	[tilespmem:s1], [sflag:$0x3] =	stream.linear.gather [hbm4b:s9+s2], $0x4800, $0x38;
	[tilespmem:$0x19000] =	vst v63  }
0x1a: {  	_ =	swait.ge [sflag:s8], $0x4800  }
0x1b: {  	[sflag:s8] =	ssyncset.done $0x0  }
0x1c: {  	[sflag:s8] =	ssyncadd.s32 $0xFFFFB800  }
0x1d: {  	[tilespmem:s11], [sflag:$0x1] =	stream.indirect.gather [hbm4b:s3+s10], $0x20, s2, s10, $0xb8;
	[tilespmem:$0x19000] =	vst v63  }
0x1e: {  	s1 =	simm.s32 $0x0  }
0x1f: {  	[tilespmem:s12], [sflag:$0x1] =	stream.indirect.gather [hbm4b:s3+s10], $0x20, s10, s10, $0xb8;
	[tilespmem:$0x19000] =	vst v63  }
.LBB2_2:
0x20: {  	_ =	swait.ge [sflag:s13], $0x8000  }
0x21: {  	s0 =	sshra.s32 s1, $0x2;
	[sflag:s13] =	ssyncset.done $0x0  }
0x22: {  	s9 =	sadd.s32 $0x4800, s0;
	[sflag:s13] =	ssyncadd.s32 $0xFFFF8000  }
0x23: {  	[hbm4b:s4+s14] =	stream.indirect.scatter [tilespmem:s11], [sflag:$0x2], $0x20, s9, s14, $0xb8;
	[tilespmem:$0x19000] =	vst v63  }
0x24: {  	s5 =	sadd.s32 $0x4880, s0  }
0x25: {  	[hbm4b:s4+s14] =	stream.indirect.scatter [tilespmem:s15], [sflag:$0x2], $0x20, s5, s14, $0xb8;
	[tilespmem:$0x19000] =	vst v63  }
0x26: {  	s6 =	sadd.s32 $0x4900, s0  }
0x27: {  	[hbm4b:s4+s14] =	stream.indirect.scatter [tilespmem:s16], [sflag:$0x2], $0x20, s6, s14, $0xb8;
	[tilespmem:$0x19000] =	vst v63  }
0x28: {  	s5 =	sadd.s32 $0x4980, s0  }
0x29: {  	[hbm4b:s4+s14] =	stream.indirect.scatter [tilespmem:s17], [sflag:$0x2], $0x20, s5, s14, $0xb8;
	[tilespmem:$0x19000] =	vst v63  }
0x2a: {  	s6 =	sadd.s32 $0x4A00, s0  }
0x2b: {  	[hbm4b:s4+s14] =	stream.indirect.scatter [tilespmem:s18], [sflag:$0x2], $0x20, s6, s14, $0xb8;
	[tilespmem:$0x19000] =	vst v63  }
0x2c: {  	s5 =	sadd.s32 $0x4A80, s0  }
0x2d: {  	[hbm4b:s4+s14] =	stream.indirect.scatter [tilespmem:s19], [sflag:$0x2], $0x20, s5, s14, $0xb8;
	[tilespmem:$0x19000] =	vst v63  }
0x2e: {  	s6 =	sadd.s32 $0x4B00, s0  }
0x2f: {  	[hbm4b:s4+s14] =	stream.indirect.scatter [tilespmem:s20], [sflag:$0x2], $0x20, s6, s14, $0xb8;
	[tilespmem:$0x19000] =	vst v63  }
0x30: {  	s5 =	sadd.s32 $0x4B80, s0  }
0x31: {  	[hbm4b:s4+s14] =	stream.indirect.scatter [tilespmem:s21], [sflag:$0x2], $0x20, s5, s14, $0xb8;
	[tilespmem:$0x19000] =	vst v63  }
0x32: {  	_ =	swait.ge [sflag:s22], $0x1000  }
0x33: {  	[sflag:s22] =	ssyncset.done $0x0  }
0x34: {  	[sflag:s22] =	ssyncadd.s32 $0xFFFFF000  }
0x35: {  	_ =	swait.ge [sflag:s22], $0x1000  }
0x36: {  	[sflag:s22] =	ssyncset.done $0x0  }
0x37: {  	[sflag:s22] =	ssyncadd.s32 $0xFFFFF000  }
0x38: {  	_ =	swait.ge [sflag:s22], $0x1000  }
0x39: {  	[sflag:s22] =	ssyncset.done $0x0  }
0x3a: {  	[sflag:s22] =	ssyncadd.s32 $0xFFFFF000  }
0x3b: {  	_ =	swait.ge [sflag:s22], $0x1000  }
0x3c: {  	[sflag:s22] =	ssyncset.done $0x0  }
0x3d: {  	[sflag:s22] =	ssyncadd.s32 $0xFFFFF000  }
0x3e: {  	_ =	swait.ge [sflag:s22], $0x1000  }
0x3f: {  	[sflag:s22] =	ssyncset.done $0x0  }
0x40: {  	[sflag:s22] =	ssyncadd.s32 $0xFFFFF000  }
0x41: {  	_ =	swait.ge [sflag:s22], $0x1000  }
0x42: {  	[sflag:s22] =	ssyncset.done $0x0  }
0x43: {  	[sflag:s22] =	ssyncadd.s32 $0xFFFFF000  }
0x44: {  	_ =	swait.ge [sflag:s22], $0x1000  }
0x45: {  	[sflag:s22] =	ssyncset.done $0x0  }
0x46: {  	p0 =	seq.s32 s1, $0x10000;
	[sflag:s22] =	ssyncadd.s32 $0xFFFFF000  }
0x47: {  	s9 =	sshra.s32 @!p0 s1, $0x2;
	_ =	swait.ge [sflag:s22], $0x1000  }
0x48: {  	s9 =	sadd.s32 @!p0 $0x800, s9;
	[sflag:s22] =	ssyncset.done $0x0  }
0x49: {  	s6 =	simm.s32 @!p0 $0x9000;
	s5 =	simm.s32 @!p0 $0x400;
	[sflag:s22] =	ssyncadd.s32 $0xFFFFF000  }
0x4a: {  	[tilespmem:s6], [sflag:$0x1] =	stream.indirect.gather @!p0 [hbm4b:s3+s5], $0x20, s9, s5, $0xb8;
	[tilespmem:$0x19000] =	vst v63  }
0x4b: {  	_ =	swait.ge [sflag:s13], $0x8000  }
0x4c: {  	[sflag:s13] =	ssyncset.done $0x0  }
0x4d: {  	s6 =	sadd.s32 $0x4C00, s0;
	[sflag:s13] =	ssyncadd.s32 $0xFFFF8000  }
0x4e: {  	[hbm4b:s4+s14] =	stream.indirect.scatter [tilespmem:s12], [sflag:$0x2], $0x20, s6, s14, $0xb8;
	[tilespmem:$0x19000] =	vst v63  }
0x4f: {  	s9 =	sadd.s32 $0x4C80, s0  }
0x50: {  	[hbm4b:s4+s14] =	stream.indirect.scatter [tilespmem:s23], [sflag:$0x2], $0x20, s9, s14, $0xb8;
	[tilespmem:$0x19000] =	vst v63  }
0x51: {  	s6 =	sadd.s32 $0x4D00, s0  }
0x52: {  	[hbm4b:s4+s14] =	stream.indirect.scatter [tilespmem:s24], [sflag:$0x2], $0x20, s6, s14, $0xb8;
	[tilespmem:$0x19000] =	vst v63  }
0x53: {  	s9 =	sadd.s32 $0x4D80, s0  }
0x54: {  	[hbm4b:s4+s14] =	stream.indirect.scatter [tilespmem:s25], [sflag:$0x2], $0x20, s9, s14, $0xb8;
	[tilespmem:$0x19000] =	vst v63  }
0x55: {  	s6 =	sadd.s32 $0x4E00, s0  }
0x56: {  	[hbm4b:s4+s14] =	stream.indirect.scatter [tilespmem:s26], [sflag:$0x2], $0x20, s6, s14, $0xb8;
	[tilespmem:$0x19000] =	vst v63  }
0x57: {  	s9 =	sadd.s32 $0x4E80, s0  }
0x58: {  	[hbm4b:s4+s14] =	stream.indirect.scatter [tilespmem:s28], [sflag:$0x2], $0x20, s9, s14, $0xb8;
	[tilespmem:$0x19000] =	vst v63  }
0x59: {  	s6 =	sadd.s32 $0x4F00, s0  }
0x5a: {  	[hbm4b:s4+s14] =	stream.indirect.scatter [tilespmem:s29], [sflag:$0x2], $0x20, s6, s14, $0xb8;
	[tilespmem:$0x19000] =	vst v63  }
0x5b: {  	s9 =	sadd.s32 $0x4F80, s0  }
0x5c: {  	[hbm4b:s4+s14] =	stream.indirect.scatter [tilespmem:s30], [sflag:$0x2], $0x20, s9, s14, $0xb8;
	[tilespmem:$0x19000] =	vst v63  }
0x5d: {  	_ =	swait.ge [sflag:s22], $0x1000  }
0x5e: {  	[sflag:s22] =	ssyncset.done $0x0  }
0x5f: {  	[sflag:s22] =	ssyncadd.s32 $0xFFFFF000  }
0x60: {  	_ =	swait.ge [sflag:s22], $0x1000  }
0x61: {  	[sflag:s22] =	ssyncset.done $0x0  }
0x62: {  	[sflag:s22] =	ssyncadd.s32 $0xFFFFF000  }
0x63: {  	_ =	swait.ge [sflag:s22], $0x1000  }
0x64: {  	[sflag:s22] =	ssyncset.done $0x0  }
0x65: {  	[sflag:s22] =	ssyncadd.s32 $0xFFFFF000  }
0x66: {  	_ =	swait.ge [sflag:s22], $0x1000  }
0x67: {  	[sflag:s22] =	ssyncset.done $0x0  }
0x68: {  	[sflag:s22] =	ssyncadd.s32 $0xFFFFF000  }
0x69: {  	_ =	swait.ge [sflag:s22], $0x1000  }
0x6a: {  	[sflag:s22] =	ssyncset.done $0x0  }
0x6b: {  	[sflag:s22] =	ssyncadd.s32 $0xFFFFF000  }
0x6c: {  	_ =	swait.ge [sflag:s22], $0x1000  }
0x6d: {  	[sflag:s22] =	ssyncset.done $0x0  }
0x6e: {  	[sflag:s22] =	ssyncadd.s32 $0xFFFFF000  }
0x6f: {  	_ =	swait.ge [sflag:s22], $0x1000  }
.Ltmp2:
0x70: {  	[sflag:s22] =	ssyncset.done $0x0;
	(pc) =	sbr.rel @p0 .LBB2_4-.Ltmp2, $4  }
0x71: {  	[sflag:s22] =	ssyncadd.s32 $0xFFFFF000  }
0x72: {  	_ =	swait.ge [sflag:s22], $0x1000  }
0x73: {  	[sflag:s22] =	ssyncset.done $0x0  }
0x74: {  	[sflag:s22] =	ssyncadd.s32 $0xFFFFF000  }
.Ltmp3:
0x75: {  	(pc) =	sbr.rel .LBB2_2-.Ltmp3, $3  }
0x76: {  	_ =	sdelay $0x1  }
0x77: {  	s0 =	sadd.s32 $0xC00, s0;
	s1 =	sadd.s32 $0x2000, s1  }
0x78: {  	[tilespmem:s12], [sflag:$0x1] =	stream.indirect.gather [hbm4b:s3+s10], $0x20, s0, s10, $0xb8;
	[tilespmem:$0x19000] =	vst v63  }
.LBB2_5:
0x79: {  	_ =	sfence.sel $0x180000  }
0x7a: {  	[bflag:$0x0] =	sbarrier.arrive $0xFFFF  }
0x7b: {  	_ =	strace $0x90000047  }
0x7c: {  	s0 =	stileid.u32;
	[bflag:$0x2] =	sbarrier.arrive $0xFFFF  }
0x7d: {  	p0 =	sne.s32 s0, $0x0;
	s0 =	rddreg [dreg:$0x1]  }
0x7e: {  	s0 =	sadd.s32 @!p0 $0x100000, s0  }
0x7f: {  	[sflag:s0] =	ssyncadd.tile.s32 @!p0 $0x1;
	_ =	shalt  }
.Lfunc_end2:
_tile_overlayer_lowered:
.L_overlay_start_2:
0x80: {  	(tag) =	ssettag $0x2  }
0x81: {  	s0 =	rddreg [dreg:$0x0];
	s2 =	stileid.u32  }
0x82: {  	s1 =	rddreg [dreg:$0x1];
	p0 =	sne.s32 s2, $0x0  }
0x83: {  	s3 =	rddreg [dreg:$0x2];
	[bflag:$0x3] =	sbarrier.arrive $0xFFFF;
	s2 =	simm.s32 @!p0 $0x1C03  }
0x84: {  	[timem:s3], [sflag:s2] =	dma.local @!p0 [hbm:s0], s1  }
0x85: {  	s0 =	simm.s32 @!p0 $0x3  }
0x86: {  	_ =	swait.ge @!p0 [sflag:s0], s1  }
0x87: {  	s1 =	ssub.s32 @!p0 $0x0, s1;
	[sflag:s0] =	ssyncset.done @!p0 $0x0  }
0x88: {  	[sflag:s0] =	ssyncadd.s32 @!p0 s1  }
0x89: {  	[bflag:$0x3] =	sbarrier.arrive $0xFFFF  }
0x8a: {  	_ =	shalt  }

</sc_bundles>
